<compile_context>
chip_gen: v7x
topology: tpu7x:2x2x1
jax: 0.10.2.dev20260603
libtpu: 0.0.44.dev20260713+nightly
codegen_flags: <defaults>
</compile_context>

<pallas_src>
import functools

import jax
import jax.numpy as jnp
from jax import lax
from jax.experimental import pallas as pl
from jax.experimental.pallas import tpu as pltpu
from jax.experimental.pallas import tpu_sc as plsc

EMB = 1_000_000
H1 = 32
HIST = 50
BATCH = 16384
H2 = HIST * H1
NCLS = 3

NC = 2
NS = 16
NW = NC * NS
TOTAL = BATCH * HIST
NSPLIT = 2
TOT_S = TOTAL // NSPLIT
PER_W = TOT_S // NW
CHUNK = 128
N_CHUNK = PER_W // CHUNK
QD = 4

_mesh = plsc.VectorSubcoreMesh(core_axis_name="c", subcore_axis_name="s")

CT = 8192
NBLK = (EMB + CT - 1) // CT


def _tp_body(in_ref, o_ref):
    q = CT // 4
    for k in range(4):
        o_ref[:, 32 * k:32 * k + 32] = in_ref[:, k * q:(k + 1) * q].T


def _tc_transpose_pad(tbl_t):
    return pl.pallas_call(
        _tp_body,
        grid=(NBLK,),
        in_specs=[pl.BlockSpec((H1, CT), lambda j: (0, j))],
        out_specs=pl.BlockSpec((CT // 4, 128), lambda j: (j, 0)),
        out_shape=jax.ShapeDtypeStruct((NBLK * CT // 4, 128), jnp.float32),
    )(tbl_t)


@functools.partial(
    pl.kernel,
    mesh=_mesh,
    out_type=jax.ShapeDtypeStruct((TOT_S, H1), jnp.float32),
    compiler_params=pltpu.CompilerParams(use_tc_tiling_on_sc=False),
    scratch_types=[
        pltpu.VMEM((PER_W,), jnp.int32),
        pltpu.VMEM((QD, CHUNK, H1), jnp.float32),
        pltpu.SemaphoreType.DMA,
        pltpu.SemaphoreType.DMA((QD,)),
        pltpu.SemaphoreType.DMA((QD,)),
    ],
)
def _sc_gather(idx_hbm, table_hbm, out_hbm, idx_v, rows_v, sem_i, sem_g, sem_s):
    wid = lax.axis_index("s") * NC + lax.axis_index("c")
    base = wid * PER_W
    pltpu.async_copy(idx_hbm.at[pl.ds(base, PER_W)], idx_v, sem_i).wait()

    @pl.loop(0, N_CHUNK, step=QD)
    def _(c):
        gs = []
        for b in range(QD):
            gs.append(pltpu.async_copy(
                table_hbm.at[idx_v.at[pl.ds((c + b) * CHUNK, CHUNK)]],
                rows_v.at[b], sem_g.at[b]))
        ss = []
        for b in range(QD):
            gs[b].wait()
            ss.append(pltpu.async_copy(
                rows_v.at[b],
                out_hbm.at[pl.ds(base + (c + b) * CHUNK, CHUNK)],
                sem_s.at[b]))
        for b in range(QD):
            ss[b].wait()


def _mm_body(g_ref, w_ref, b_ref, o_ref):
    logits = jnp.dot(g_ref[...], w_ref[...],
                     preferred_element_type=jnp.float32) + b_ref[...]
    m = jnp.max(logits, axis=1, keepdims=True)
    s = logits - m
    lse = jnp.log(jnp.sum(jnp.exp(s), axis=1, keepdims=True))
    o_ref[...] = s - lse


BB = 1024


def _tc_head(g, wt, b2):
    nb = g.shape[0]
    return pl.pallas_call(
        _mm_body,
        grid=(nb // BB,),
        in_specs=[
            pl.BlockSpec((BB, H2), lambda i: (i, 0)),
            pl.BlockSpec((H2, NCLS), lambda i: (0, 0)),
            pl.BlockSpec((1, NCLS), lambda i: (0, 0)),
        ],
        out_specs=pl.BlockSpec((BB, NCLS), lambda i: (i, 0)),
        out_shape=jax.ShapeDtypeStruct((nb, NCLS), jnp.float32),
    )(g, wt, b2)


def kernel(x, emb_table, fc_w, fc_b):
    xi = x.reshape(-1).astype(jnp.int32)
    xf = (xi & ~(CT - 1)) | ((xi & (CT // 4 - 1)) << 2) | ((xi >> 11) & 3)
    tp = _tc_transpose_pad(emb_table.T)
    t4 = tp.reshape(NBLK * CT, H1)
    wt = fc_w.T
    b2 = fc_b.reshape(1, NCLS)
    outs = []
    for sp in range(NSPLIT):
        gs = _sc_gather(xf[sp * TOT_S:(sp + 1) * TOT_S], t4)
        outs.append(_tc_head(gs.reshape(BATCH // NSPLIT, H2), wt, b2))
    return jnp.concatenate(outs, axis=0)

# --- scband reference (transcript-rebuilt; emitter-appended) ---
"""Pipeline reference for scband-emb-net-39951785787629 (READ-ONLY COPY).

The authoritative reference and input builder live on the scoring server;
editing this copy changes nothing except your own understanding.
"""

import jax, jax.numpy as jnp
import numpy as np

EMB_SIZE = 1000000
HIDDEN1 = 32
HIDDEN2 = 1600  # 50 * 32
BATCH = 16384
HIST = 50

def setup_inputs(seed: int = 0) -> dict:
    key = jax.random.key(seed)
    k1, k2, k3, k4 = jax.random.split(key, 4)
    x = jax.random.randint(k1, (BATCH, HIST), 0, EMB_SIZE, dtype=jnp.int64 if jax.config.jax_enable_x64 else jnp.int32)
    emb_table = jax.random.normal(k2, (EMB_SIZE, HIDDEN1), dtype=jnp.float32)
    # nn.Linear(hidden_size2, 3): weight [3, hidden2], bias [3]
    bound = 1.0 / np.sqrt(HIDDEN2)
    fc_w = jax.random.uniform(k3, (3, HIDDEN2), minval=-bound, maxval=bound, dtype=jnp.float32)
    fc_b = jax.random.uniform(k4, (3,), minval=-bound, maxval=bound, dtype=jnp.float32)
    return {"x": x, "emb_table": emb_table, "fc_w": fc_w, "fc_b": fc_b}

def reference(x, emb_table, fc_w, fc_b):
    embeds = jnp.take(emb_table, x, axis=0)           # [B, L, H1]
    embeds = embeds.reshape(x.shape[0], -1)            # [B, L*H1]
    out = embeds @ fc_w.T + fc_b                       # [B, 3]
    return jax.nn.log_softmax(out, axis=-1)

if __name__ == "__main__":
    import jax
    _d = setup_inputs()
    print(jax.jit(kernel)(*tuple(_d.values())))

</pallas_src>

<mosaic_0001>
#map = affine_map<(d0, d1) -> (0)>
#map1 = affine_map<(d0, d1) -> (0, 0)>
module attributes {stable_mosaic.version = 14 : i64} {
  func.func @_sc_gather(%arg0: i32, %arg1: i32, %arg2: memref<409600xi32, #tpu.memory_space<hbm>>, %arg3: memref<1007616x32xf32, #tpu.memory_space<hbm>>, %arg4: memref<409600x32xf32, #tpu.memory_space<hbm>>, %arg5: memref<12800xi32, #tpu.memory_space<vmem>>, %arg6: memref<4x128x32xf32, #tpu.memory_space<vmem>>, %arg7: memref<!tpu.dma_semaphore, #tpu.memory_space<semaphore_mem>>, %arg8: memref<4x!tpu.dma_semaphore, #tpu.memory_space<semaphore_mem>>, %arg9: memref<4x!tpu.dma_semaphore, #tpu.memory_space<semaphore_mem>>) attributes {dimension_semantics = [#tpu.dimension_semantics<core_parallel>, #tpu.dimension_semantics<subcore_parallel>], iteration_bounds = array<i64: 2, 16>, scalar_prefetch = 0 : i64, scratch_operands = 5 : i64, tpu.core_type = #tpu.core_type<sc_vector_subcore>, window_params = [{transform_indices = #map}, {transform_indices = #map1}, {transform_indices = #map1}]} {
    %mul3A = arith.constant 2 : i32
    %mul3A_0 = arith.muli %arg1, %mul3A : i32
    %add3A = arith.addi %mul3A_0, %arg0 : i32
    %mul3A_1 = arith.constant 12800 : i32
    %mul3A_2 = arith.muli %add3A, %mul3A_1 : i32
    %dma_start3A = tpu.memref_slice %arg2[%mul3A_2] : memref<409600xi32, #tpu.memory_space<hbm>> -> memref<12800xi32, #tpu.memory_space<hbm>>
    %dma_start3A_3 = tpu.memref_slice %arg2[%mul3A_2] : memref<409600xi32, #tpu.memory_space<hbm>> -> memref<12800xi32, #tpu.memory_space<hbm>>
    tpu.enqueue_dma source(%dma_start3A_3 : memref<12800xi32, #tpu.memory_space<hbm>>) target(%arg5 : memref<12800xi32, #tpu.memory_space<vmem>>) target_semaphore(%arg7 : memref<!tpu.dma_semaphore, #tpu.memory_space<semaphore_mem>>)
    %dma_wait3A = tpu.memref_slice %arg2[%mul3A_2] : memref<409600xi32, #tpu.memory_space<hbm>> -> memref<12800xi32, #tpu.memory_space<hbm>>
    %dma_wait3A_4 = tpu.memref_slice %arg2[%mul3A_2] : memref<409600xi32, #tpu.memory_space<hbm>> -> memref<12800xi32, #tpu.memory_space<hbm>>
    tpu.wait_dma2 semaphore(%arg7 : memref<!tpu.dma_semaphore, #tpu.memory_space<semaphore_mem>>) src(%dma_wait3A_4 : memref<12800xi32, #tpu.memory_space<hbm>>) dst(%arg5 : memref<12800xi32, #tpu.memory_space<vmem>>)
    %scan3A = arith.constant 0 : i32
    %scan3A_5 = arith.constant 25 : i32
    %scan3A_6 = arith.addi %scan3A, %scan3A_5 : i32
    %scan3A_7 = arith.constant 1 : i32
    scf.for %scan3A_9 = %scan3A to %scan3A_6 step %scan3A_7  : i32 {
      %mul3A_10 = arith.constant 4 : i32
      %mul3A_11 = arith.muli %scan3A_9, %mul3A_10 : i32
      %add3A_12 = arith.constant 0 : i32
      %add3A_13 = arith.addi %add3A_12, %mul3A_11 : i32
      %add3A_14 = arith.constant 0 : i32
      %add3A_15 = arith.addi %add3A_13, %add3A_14 : i32
      %mul3A_16 = arith.constant 128 : i32
      %mul3A_17 = arith.muli %add3A_15, %mul3A_16 : i32
      %dma_start3A_18 = arith.constant 0 : i32
      %dma_start3A_19 = arith.constant 0 : i32
      %dma_start3A_20 = arith.constant 0 : i32
      %dma_start3A_21 = arith.constant 0 : i32
      %dma_start3A_22 = tpu.memref_slice %arg6[%dma_start3A_18, %dma_start3A_20, %dma_start3A_21] : memref<4x128x32xf32, #tpu.memory_space<vmem>> -> memref<1x128x32xf32, #tpu.memory_space<vmem>>
      %dma_start3A_23 = tpu.memref_squeeze %dma_start3A_22 : memref<1x128x32xf32, #tpu.memory_space<vmem>> -> memref<128x32xf32, #tpu.memory_space<vmem>>
      %dma_start3A_24 = tpu.memref_slice %arg5[%mul3A_17] : memref<12800xi32, #tpu.memory_space<vmem>> -> memref<128xi32, #tpu.memory_space<vmem>>
      %dma_start3A_25 = arith.constant 0 : i32
      %dma_start3A_26 = arith.constant 0 : i32
      %dma_start3A_27 = tpu.memref_slice %arg3[%dma_start3A_25, %dma_start3A_26] : memref<1007616x32xf32, #tpu.memory_space<hbm>> -> memref<1007616x32xf32, #tpu.memory_space<hbm>>
      %dma_start3A_28 = tpu.memref_slice %arg8[%dma_start3A_19] : memref<4x!tpu.dma_semaphore, #tpu.memory_space<semaphore_mem>> -> memref<1x!tpu.dma_semaphore, #tpu.memory_space<semaphore_mem>>
      %dma_start3A_29 = tpu.memref_squeeze %dma_start3A_28 : memref<1x!tpu.dma_semaphore, #tpu.memory_space<semaphore_mem>> -> memref<!tpu.dma_semaphore, #tpu.memory_space<semaphore_mem>>
      tpu.enqueue_indirect_dma source(%dma_start3A_27 : memref<1007616x32xf32, #tpu.memory_space<hbm>>) target(%dma_start3A_23 : memref<128x32xf32, #tpu.memory_space<vmem>>) offsets(%dma_start3A_24 : memref<128xi32, #tpu.memory_space<vmem>>) semaphore(%dma_start3A_29 : memref<!tpu.dma_semaphore, #tpu.memory_space<semaphore_mem>>)
      %add3A_30 = arith.constant 1 : i32
      %add3A_31 = arith.addi %add3A_13, %add3A_30 : i32
      %mul3A_32 = arith.constant 128 : i32
      %mul3A_33 = arith.muli %add3A_31, %mul3A_32 : i32
      %dma_start3A_34 = arith.constant 1 : i32
      %dma_start3A_35 = arith.constant 1 : i32
      %dma_start3A_36 = arith.constant 0 : i32
      %dma_start3A_37 = arith.constant 0 : i32
      %dma_start3A_38 = tpu.memref_slice %arg6[%dma_start3A_34, %dma_start3A_36, %dma_start3A_37] : memref<4x128x32xf32, #tpu.memory_space<vmem>> -> memref<1x128x32xf32, #tpu.memory_space<vmem>>
      %dma_start3A_39 = tpu.memref_squeeze %dma_start3A_38 : memref<1x128x32xf32, #tpu.memory_space<vmem>> -> memref<128x32xf32, #tpu.memory_space<vmem>>
      %dma_start3A_40 = tpu.memref_slice %arg5[%mul3A_33] : memref<12800xi32, #tpu.memory_space<vmem>> -> memref<128xi32, #tpu.memory_space<vmem>>
      %dma_start3A_41 = arith.constant 0 : i32
      %dma_start3A_42 = arith.constant 0 : i32
      %dma_start3A_43 = tpu.memref_slice %arg3[%dma_start3A_41, %dma_start3A_42] : memref<1007616x32xf32, #tpu.memory_space<hbm>> -> memref<1007616x32xf32, #tpu.memory_space<hbm>>
      %dma_start3A_44 = tpu.memref_slice %arg8[%dma_start3A_35] : memref<4x!tpu.dma_semaphore, #tpu.memory_space<semaphore_mem>> -> memref<1x!tpu.dma_semaphore, #tpu.memory_space<semaphore_mem>>
      %dma_start3A_45 = tpu.memref_squeeze %dma_start3A_44 : memref<1x!tpu.dma_semaphore, #tpu.memory_space<semaphore_mem>> -> memref<!tpu.dma_semaphore, #tpu.memory_space<semaphore_mem>>
      tpu.enqueue_indirect_dma source(%dma_start3A_43 : memref<1007616x32xf32, #tpu.memory_space<hbm>>) target(%dma_start3A_39 : memref<128x32xf32, #tpu.memory_space<vmem>>) offsets(%dma_start3A_40 : memref<128xi32, #tpu.memory_space<vmem>>) semaphore(%dma_start3A_45 : memref<!tpu.dma_semaphore, #tpu.memory_space<semaphore_mem>>)
      %add3A_46 = arith.constant 2 : i32
      %add3A_47 = arith.addi %add3A_13, %add3A_46 : i32
      %mul3A_48 = arith.constant 128 : i32
      %mul3A_49 = arith.muli %add3A_47, %mul3A_48 : i32
      %dma_start3A_50 = arith.constant 2 : i32
      %dma_start3A_51 = arith.constant 2 : i32
      %dma_start3A_52 = arith.constant 0 : i32
      %dma_start3A_53 = arith.constant 0 : i32
      %dma_start3A_54 = tpu.memref_slice %arg6[%dma_start3A_50, %dma_start3A_52, %dma_start3A_53] : memref<4x128x32xf32, #tpu.memory_space<vmem>> -> memref<1x128x32xf32, #tpu.memory_space<vmem>>
      %dma_start3A_55 = tpu.memref_squeeze %dma_start3A_54 : memref<1x128x32xf32, #tpu.memory_space<vmem>> -> memref<128x32xf32, #tpu.memory_space<vmem>>
      %dma_start3A_56 = tpu.memref_slice %arg5[%mul3A_49] : memref<12800xi32, #tpu.memory_space<vmem>> -> memref<128xi32, #tpu.memory_space<vmem>>
      %dma_start3A_57 = arith.constant 0 : i32
      %dma_start3A_58 = arith.constant 0 : i32
      %dma_start3A_59 = tpu.memref_slice %arg3[%dma_start3A_57, %dma_start3A_58] : memref<1007616x32xf32, #tpu.memory_space<hbm>> -> memref<1007616x32xf32, #tpu.memory_space<hbm>>
      %dma_start3A_60 = tpu.memref_slice %arg8[%dma_start3A_51] : memref<4x!tpu.dma_semaphore, #tpu.memory_space<semaphore_mem>> -> memref<1x!tpu.dma_semaphore, #tpu.memory_space<semaphore_mem>>
      %dma_start3A_61 = tpu.memref_squeeze %dma_start3A_60 : memref<1x!tpu.dma_semaphore, #tpu.memory_space<semaphore_mem>> -> memref<!tpu.dma_semaphore, #tpu.memory_space<semaphore_mem>>
      tpu.enqueue_indirect_dma source(%dma_start3A_59 : memref<1007616x32xf32, #tpu.memory_space<hbm>>) target(%dma_start3A_55 : memref<128x32xf32, #tpu.memory_space<vmem>>) offsets(%dma_start3A_56 : memref<128xi32, #tpu.memory_space<vmem>>) semaphore(%dma_start3A_61 : memref<!tpu.dma_semaphore, #tpu.memory_space<semaphore_mem>>)
      %add3A_62 = arith.constant 3 : i32
      %add3A_63 = arith.addi %add3A_13, %add3A_62 : i32
      %mul3A_64 = arith.constant 128 : i32
      %mul3A_65 = arith.muli %add3A_63, %mul3A_64 : i32
      %dma_start3A_66 = arith.constant 3 : i32
      %dma_start3A_67 = arith.constant 3 : i32
      %dma_start3A_68 = arith.constant 0 : i32
      %dma_start3A_69 = arith.constant 0 : i32
      %dma_start3A_70 = tpu.memref_slice %arg6[%dma_start3A_66, %dma_start3A_68, %dma_start3A_69] : memref<4x128x32xf32, #tpu.memory_space<vmem>> -> memref<1x128x32xf32, #tpu.memory_space<vmem>>
      %dma_start3A_71 = tpu.memref_squeeze %dma_start3A_70 : memref<1x128x32xf32, #tpu.memory_space<vmem>> -> memref<128x32xf32, #tpu.memory_space<vmem>>
      %dma_start3A_72 = tpu.memref_slice %arg5[%mul3A_65] : memref<12800xi32, #tpu.memory_space<vmem>> -> memref<128xi32, #tpu.memory_space<vmem>>
      %dma_start3A_73 = arith.constant 0 : i32
      %dma_start3A_74 = arith.constant 0 : i32
      %dma_start3A_75 = tpu.memref_slice %arg3[%dma_start3A_73, %dma_start3A_74] : memref<1007616x32xf32, #tpu.memory_space<hbm>> -> memref<1007616x32xf32, #tpu.memory_space<hbm>>
      %dma_start3A_76 = tpu.memref_slice %arg8[%dma_start3A_67] : memref<4x!tpu.dma_semaphore, #tpu.memory_space<semaphore_mem>> -> memref<1x!tpu.dma_semaphore, #tpu.memory_space<semaphore_mem>>
      %dma_start3A_77 = tpu.memref_squeeze %dma_start3A_76 : memref<1x!tpu.dma_semaphore, #tpu.memory_space<semaphore_mem>> -> memref<!tpu.dma_semaphore, #tpu.memory_space<semaphore_mem>>
      tpu.enqueue_indirect_dma source(%dma_start3A_75 : memref<1007616x32xf32, #tpu.memory_space<hbm>>) target(%dma_start3A_71 : memref<128x32xf32, #tpu.memory_space<vmem>>) offsets(%dma_start3A_72 : memref<128xi32, #tpu.memory_space<vmem>>) semaphore(%dma_start3A_77 : memref<!tpu.dma_semaphore, #tpu.memory_space<semaphore_mem>>)
      %dma_wait3A_78 = arith.constant 0 : i32
      %dma_wait3A_79 = arith.constant 0 : i32
      %dma_wait3A_80 = arith.constant 0 : i32
      %dma_wait3A_81 = arith.constant 0 : i32
      %dma_wait3A_82 = tpu.memref_slice %arg6[%dma_wait3A_78, %dma_wait3A_80, %dma_wait3A_81] : memref<4x128x32xf32, #tpu.memory_space<vmem>> -> memref<1x128x32xf32, #tpu.memory_space<vmem>>
      %dma_wait3A_83 = tpu.memref_squeeze %dma_wait3A_82 : memref<1x128x32xf32, #tpu.memory_space<vmem>> -> memref<128x32xf32, #tpu.memory_space<vmem>>
      %dma_wait3A_84 = tpu.memref_slice %arg5[%mul3A_17] : memref<12800xi32, #tpu.memory_space<vmem>> -> memref<128xi32, #tpu.memory_space<vmem>>
      %dma_wait3A_85 = arith.constant 0 : i32
      %dma_wait3A_86 = arith.constant 0 : i32
      %dma_wait3A_87 = tpu.memref_slice %arg3[%dma_wait3A_85, %dma_wait3A_86] : memref<1007616x32xf32, #tpu.memory_space<hbm>> -> memref<1007616x32xf32, #tpu.memory_space<hbm>>
      %dma_wait3A_88 = tpu.memref_slice %arg8[%dma_wait3A_79] : memref<4x!tpu.dma_semaphore, #tpu.memory_space<semaphore_mem>> -> memref<1x!tpu.dma_semaphore, #tpu.memory_space<semaphore_mem>>
      %dma_wait3A_89 = tpu.memref_squeeze %dma_wait3A_88 : memref<1x!tpu.dma_semaphore, #tpu.memory_space<semaphore_mem>> -> memref<!tpu.dma_semaphore, #tpu.memory_space<semaphore_mem>>
      tpu.wait_indirect_dma semaphore(%dma_wait3A_89 : memref<!tpu.dma_semaphore, #tpu.memory_space<semaphore_mem>>) src(%dma_wait3A_87 : memref<1007616x32xf32, #tpu.memory_space<hbm>>) dst(%dma_wait3A_83 : memref<128x32xf32, #tpu.memory_space<vmem>>)
      %add3A_90 = arith.constant 0 : i32
      %add3A_91 = arith.addi %add3A_13, %add3A_90 : i32
      %mul3A_92 = arith.constant 128 : i32
      %mul3A_93 = arith.muli %add3A_91, %mul3A_92 : i32
      %add3A_94 = arith.addi %mul3A_2, %mul3A_93 : i32
      %dma_start3A_95 = arith.constant 0 : i32
      %dma_start3A_96 = arith.constant 0 : i32
      %dma_start3A_97 = arith.constant 0 : i32
      %dma_start3A_98 = arith.constant 0 : i32
      %dma_start3A_99 = tpu.memref_slice %arg6[%dma_start3A_95, %dma_start3A_97, %dma_start3A_98] : memref<4x128x32xf32, #tpu.memory_space<vmem>> -> memref<1x128x32xf32, #tpu.memory_space<vmem>>
      %dma_start3A_100 = tpu.memref_squeeze %dma_start3A_99 : memref<1x128x32xf32, #tpu.memory_space<vmem>> -> memref<128x32xf32, #tpu.memory_space<vmem>>
      %dma_start3A_101 = arith.constant 0 : i32
      %dma_start3A_102 = tpu.memref_slice %arg4[%add3A_94, %dma_start3A_101] : memref<409600x32xf32, #tpu.memory_space<hbm>> -> memref<128x32xf32, #tpu.memory_space<hbm>>
      %dma_start3A_103 = tpu.memref_slice %arg9[%dma_start3A_96] : memref<4x!tpu.dma_semaphore, #tpu.memory_space<semaphore_mem>> -> memref<1x!tpu.dma_semaphore, #tpu.memory_space<semaphore_mem>>
      %dma_start3A_104 = tpu.memref_squeeze %dma_start3A_103 : memref<1x!tpu.dma_semaphore, #tpu.memory_space<semaphore_mem>> -> memref<!tpu.dma_semaphore, #tpu.memory_space<semaphore_mem>>
      %dma_start3A_105 = arith.constant 0 : i32
      %dma_start3A_106 = tpu.memref_slice %arg4[%add3A_94, %dma_start3A_105] : memref<409600x32xf32, #tpu.memory_space<hbm>> -> memref<128x32xf32, #tpu.memory_space<hbm>>
      %dma_start3A_107 = arith.constant 0 : i32
      %dma_start3A_108 = arith.constant 0 : i32
      %dma_start3A_109 = tpu.memref_slice %arg6[%dma_start3A_95, %dma_start3A_107, %dma_start3A_108] : memref<4x128x32xf32, #tpu.memory_space<vmem>> -> memref<1x128x32xf32, #tpu.memory_space<vmem>>
      %dma_start3A_110 = tpu.memref_squeeze %dma_start3A_109 : memref<1x128x32xf32, #tpu.memory_space<vmem>> -> memref<128x32xf32, #tpu.memory_space<vmem>>
      tpu.enqueue_dma source(%dma_start3A_110 : memref<128x32xf32, #tpu.memory_space<vmem>>) target(%dma_start3A_106 : memref<128x32xf32, #tpu.memory_space<hbm>>) target_semaphore(%dma_start3A_104 : memref<!tpu.dma_semaphore, #tpu.memory_space<semaphore_mem>>)
      %dma_wait3A_111 = arith.constant 1 : i32
      %dma_wait3A_112 = arith.constant 1 : i32
      %dma_wait3A_113 = arith.constant 0 : i32
      %dma_wait3A_114 = arith.constant 0 : i32
      %dma_wait3A_115 = tpu.memref_slice %arg6[%dma_wait3A_111, %dma_wait3A_113, %dma_wait3A_114] : memref<4x128x32xf32, #tpu.memory_space<vmem>> -> memref<1x128x32xf32, #tpu.memory_space<vmem>>
      %dma_wait3A_116 = tpu.memref_squeeze %dma_wait3A_115 : memref<1x128x32xf32, #tpu.memory_space<vmem>> -> memref<128x32xf32, #tpu.memory_space<vmem>>
      %dma_wait3A_117 = tpu.memref_slice %arg5[%mul3A_33] : memref<12800xi32, #tpu.memory_space<vmem>> -> memref<128xi32, #tpu.memory_space<vmem>>
      %dma_wait3A_118 = arith.constant 0 : i32
      %dma_wait3A_119 = arith.constant 0 : i32
      %dma_wait3A_120 = tpu.memref_slice %arg3[%dma_wait3A_118, %dma_wait3A_119] : memref<1007616x32xf32, #tpu.memory_space<hbm>> -> memref<1007616x32xf32, #tpu.memory_space<hbm>>
      %dma_wait3A_121 = tpu.memref_slice %arg8[%dma_wait3A_112] : memref<4x!tpu.dma_semaphore, #tpu.memory_space<semaphore_mem>> -> memref<1x!tpu.dma_semaphore, #tpu.memory_space<semaphore_mem>>
      %dma_wait3A_122 = tpu.memref_squeeze %dma_wait3A_121 : memref<1x!tpu.dma_semaphore, #tpu.memory_space<semaphore_mem>> -> memref<!tpu.dma_semaphore, #tpu.memory_space<semaphore_mem>>
      tpu.wait_indirect_dma semaphore(%dma_wait3A_122 : memref<!tpu.dma_semaphore, #tpu.memory_space<semaphore_mem>>) src(%dma_wait3A_120 : memref<1007616x32xf32, #tpu.memory_space<hbm>>) dst(%dma_wait3A_116 : memref<128x32xf32, #tpu.memory_space<vmem>>)
      %add3A_123 = arith.constant 1 : i32
      %add3A_124 = arith.addi %add3A_13, %add3A_123 : i32
      %mul3A_125 = arith.constant 128 : i32
      %mul3A_126 = arith.muli %add3A_124, %mul3A_125 : i32
      %add3A_127 = arith.addi %mul3A_2, %mul3A_126 : i32
      %dma_start3A_128 = arith.constant 1 : i32
      %dma_start3A_129 = arith.constant 1 : i32
      %dma_start3A_130 = arith.constant 0 : i32
      %dma_start3A_131 = arith.constant 0 : i32
      %dma_start3A_132 = tpu.memref_slice %arg6[%dma_start3A_128, %dma_start3A_130, %dma_start3A_131] : memref<4x128x32xf32, #tpu.memory_space<vmem>> -> memref<1x128x32xf32, #tpu.memory_space<vmem>>
      %dma_start3A_133 = tpu.memref_squeeze %dma_start3A_132 : memref<1x128x32xf32, #tpu.memory_space<vmem>> -> memref<128x32xf32, #tpu.memory_space<vmem>>
      %dma_start3A_134 = arith.constant 0 : i32
      %dma_start3A_135 = tpu.memref_slice %arg4[%add3A_127, %dma_start3A_134] : memref<409600x32xf32, #tpu.memory_space<hbm>> -> memref<128x32xf32, #tpu.memory_space<hbm>>
      %dma_start3A_136 = tpu.memref_slice %arg9[%dma_start3A_129] : memref<4x!tpu.dma_semaphore, #tpu.memory_space<semaphore_mem>> -> memref<1x!tpu.dma_semaphore, #tpu.memory_space<semaphore_mem>>
      %dma_start3A_137 = tpu.memref_squeeze %dma_start3A_136 : memref<1x!tpu.dma_semaphore, #tpu.memory_space<semaphore_mem>> -> memref<!tpu.dma_semaphore, #tpu.memory_space<semaphore_mem>>
      %dma_start3A_138 = arith.constant 0 : i32
      %dma_start3A_139 = tpu.memref_slice %arg4[%add3A_127, %dma_start3A_138] : memref<409600x32xf32, #tpu.memory_space<hbm>> -> memref<128x32xf32, #tpu.memory_space<hbm>>
      %dma_start3A_140 = arith.constant 0 : i32
      %dma_start3A_141 = arith.constant 0 : i32
      %dma_start3A_142 = tpu.memref_slice %arg6[%dma_start3A_128, %dma_start3A_140, %dma_start3A_141] : memref<4x128x32xf32, #tpu.memory_space<vmem>> -> memref<1x128x32xf32, #tpu.memory_space<vmem>>
      %dma_start3A_143 = tpu.memref_squeeze %dma_start3A_142 : memref<1x128x32xf32, #tpu.memory_space<vmem>> -> memref<128x32xf32, #tpu.memory_space<vmem>>
      tpu.enqueue_dma source(%dma_start3A_143 : memref<128x32xf32, #tpu.memory_space<vmem>>) target(%dma_start3A_139 : memref<128x32xf32, #tpu.memory_space<hbm>>) target_semaphore(%dma_start3A_137 : memref<!tpu.dma_semaphore, #tpu.memory_space<semaphore_mem>>)
      %dma_wait3A_144 = arith.constant 2 : i32
      %dma_wait3A_145 = arith.constant 2 : i32
      %dma_wait3A_146 = arith.constant 0 : i32
      %dma_wait3A_147 = arith.constant 0 : i32
      %dma_wait3A_148 = tpu.memref_slice %arg6[%dma_wait3A_144, %dma_wait3A_146, %dma_wait3A_147] : memref<4x128x32xf32, #tpu.memory_space<vmem>> -> memref<1x128x32xf32, #tpu.memory_space<vmem>>
      %dma_wait3A_149 = tpu.memref_squeeze %dma_wait3A_148 : memref<1x128x32xf32, #tpu.memory_space<vmem>> -> memref<128x32xf32, #tpu.memory_space<vmem>>
      %dma_wait3A_150 = tpu.memref_slice %arg5[%mul3A_49] : memref<12800xi32, #tpu.memory_space<vmem>> -> memref<128xi32, #tpu.memory_space<vmem>>
      %dma_wait3A_151 = arith.constant 0 : i32
      %dma_wait3A_152 = arith.constant 0 : i32
      %dma_wait3A_153 = tpu.memref_slice %arg3[%dma_wait3A_151, %dma_wait3A_152] : memref<1007616x32xf32, #tpu.memory_space<hbm>> -> memref<1007616x32xf32, #tpu.memory_space<hbm>>
      %dma_wait3A_154 = tpu.memref_slice %arg8[%dma_wait3A_145] : memref<4x!tpu.dma_semaphore, #tpu.memory_space<semaphore_mem>> -> memref<1x!tpu.dma_semaphore, #tpu.memory_space<semaphore_mem>>
      %dma_wait3A_155 = tpu.memref_squeeze %dma_wait3A_154 : memref<1x!tpu.dma_semaphore, #tpu.memory_space<semaphore_mem>> -> memref<!tpu.dma_semaphore, #tpu.memory_space<semaphore_mem>>
      tpu.wait_indirect_dma semaphore(%dma_wait3A_155 : memref<!tpu.dma_semaphore, #tpu.memory_space<semaphore_mem>>) src(%dma_wait3A_153 : memref<1007616x32xf32, #tpu.memory_space<hbm>>) dst(%dma_wait3A_149 : memref<128x32xf32, #tpu.memory_space<vmem>>)
      %add3A_156 = arith.constant 2 : i32
      %add3A_157 = arith.addi %add3A_13, %add3A_156 : i32
      %mul3A_158 = arith.constant 128 : i32
      %mul3A_159 = arith.muli %add3A_157, %mul3A_158 : i32
      %add3A_160 = arith.addi %mul3A_2, %mul3A_159 : i32
      %dma_start3A_161 = arith.constant 2 : i32
      %dma_start3A_162 = arith.constant 2 : i32
      %dma_start3A_163 = arith.constant 0 : i32
      %dma_start3A_164 = arith.constant 0 : i32
      %dma_start3A_165 = tpu.memref_slice %arg6[%dma_start3A_161, %dma_start3A_163, %dma_start3A_164] : memref<4x128x32xf32, #tpu.memory_space<vmem>> -> memref<1x128x32xf32, #tpu.memory_space<vmem>>
      %dma_start3A_166 = tpu.memref_squeeze %dma_start3A_165 : memref<1x128x32xf32, #tpu.memory_space<vmem>> -> memref<128x32xf32, #tpu.memory_space<vmem>>
      %dma_start3A_167 = arith.constant 0 : i32
      %dma_start3A_168 = tpu.memref_slice %arg4[%add3A_160, %dma_start3A_167] : memref<409600x32xf32, #tpu.memory_space<hbm>> -> memref<128x32xf32, #tpu.memory_space<hbm>>
      %dma_start3A_169 = tpu.memref_slice %arg9[%dma_start3A_162] : memref<4x!tpu.dma_semaphore, #tpu.memory_space<semaphore_mem>> -> memref<1x!tpu.dma_semaphore, #tpu.memory_space<semaphore_mem>>
      %dma_start3A_170 = tpu.memref_squeeze %dma_start3A_169 : memref<1x!tpu.dma_semaphore, #tpu.memory_space<semaphore_mem>> -> memref<!tpu.dma_semaphore, #tpu.memory_space<semaphore_mem>>
      %dma_start3A_171 = arith.constant 0 : i32
      %dma_start3A_172 = tpu.memref_slice %arg4[%add3A_160, %dma_start3A_171] : memref<409600x32xf32, #tpu.memory_space<hbm>> -> memref<128x32xf32, #tpu.memory_space<hbm>>
      %dma_start3A_173 = arith.constant 0 : i32
      %dma_start3A_174 = arith.constant 0 : i32
      %dma_start3A_175 = tpu.memref_slice %arg6[%dma_start3A_161, %dma_start3A_173, %dma_start3A_174] : memref<4x128x32xf32, #tpu.memory_space<vmem>> -> memref<1x128x32xf32, #tpu.memory_space<vmem>>
      %dma_start3A_176 = tpu.memref_squeeze %dma_start3A_175 : memref<1x128x32xf32, #tpu.memory_space<vmem>> -> memref<128x32xf32, #tpu.memory_space<vmem>>
      tpu.enqueue_dma source(%dma_start3A_176 : memref<128x32xf32, #tpu.memory_space<vmem>>) target(%dma_start3A_172 : memref<128x32xf32, #tpu.memory_space<hbm>>) target_semaphore(%dma_start3A_170 : memref<!tpu.dma_semaphore, #tpu.memory_space<semaphore_mem>>)
      %dma_wait3A_177 = arith.constant 3 : i32
      %dma_wait3A_178 = arith.constant 3 : i32
      %dma_wait3A_179 = arith.constant 0 : i32
      %dma_wait3A_180 = arith.constant 0 : i32
      %dma_wait3A_181 = tpu.memref_slice %arg6[%dma_wait3A_177, %dma_wait3A_179, %dma_wait3A_180] : memref<4x128x32xf32, #tpu.memory_space<vmem>> -> memref<1x128x32xf32, #tpu.memory_space<vmem>>
      %dma_wait3A_182 = tpu.memref_squeeze %dma_wait3A_181 : memref<1x128x32xf32, #tpu.memory_space<vmem>> -> memref<128x32xf32, #tpu.memory_space<vmem>>
      %dma_wait3A_183 = tpu.memref_slice %arg5[%mul3A_65] : memref<12800xi32, #tpu.memory_space<vmem>> -> memref<128xi32, #tpu.memory_space<vmem>>
      %dma_wait3A_184 = arith.constant 0 : i32
      %dma_wait3A_185 = arith.constant 0 : i32
      %dma_wait3A_186 = tpu.memref_slice %arg3[%dma_wait3A_184, %dma_wait3A_185] : memref<1007616x32xf32, #tpu.memory_space<hbm>> -> memref<1007616x32xf32, #tpu.memory_space<hbm>>
      %dma_wait3A_187 = tpu.memref_slice %arg8[%dma_wait3A_178] : memref<4x!tpu.dma_semaphore, #tpu.memory_space<semaphore_mem>> -> memref<1x!tpu.dma_semaphore, #tpu.memory_space<semaphore_mem>>
      %dma_wait3A_188 = tpu.memref_squeeze %dma_wait3A_187 : memref<1x!tpu.dma_semaphore, #tpu.memory_space<semaphore_mem>> -> memref<!tpu.dma_semaphore, #tpu.memory_space<semaphore_mem>>
      tpu.wait_indirect_dma semaphore(%dma_wait3A_188 : memref<!tpu.dma_semaphore, #tpu.memory_space<semaphore_mem>>) src(%dma_wait3A_186 : memref<1007616x32xf32, #tpu.memory_space<hbm>>) dst(%dma_wait3A_182 : memref<128x32xf32, #tpu.memory_space<vmem>>)
      %add3A_189 = arith.constant 3 : i32
      %add3A_190 = arith.addi %add3A_13, %add3A_189 : i32
      %mul3A_191 = arith.constant 128 : i32
      %mul3A_192 = arith.muli %add3A_190, %mul3A_191 : i32
      %add3A_193 = arith.addi %mul3A_2, %mul3A_192 : i32
      %dma_start3A_194 = arith.constant 3 : i32
      %dma_start3A_195 = arith.constant 3 : i32
      %dma_start3A_196 = arith.constant 0 : i32
      %dma_start3A_197 = arith.constant 0 : i32
      %dma_start3A_198 = tpu.memref_slice %arg6[%dma_start3A_194, %dma_start3A_196, %dma_start3A_197] : memref<4x128x32xf32, #tpu.memory_space<vmem>> -> memref<1x128x32xf32, #tpu.memory_space<vmem>>
      %dma_start3A_199 = tpu.memref_squeeze %dma_start3A_198 : memref<1x128x32xf32, #tpu.memory_space<vmem>> -> memref<128x32xf32, #tpu.memory_space<vmem>>
      %dma_start3A_200 = arith.constant 0 : i32
      %dma_start3A_201 = tpu.memref_slice %arg4[%add3A_193, %dma_start3A_200] : memref<409600x32xf32, #tpu.memory_space<hbm>> -> memref<128x32xf32, #tpu.memory_space<hbm>>
      %dma_start3A_202 = tpu.memref_slice %arg9[%dma_start3A_195] : memref<4x!tpu.dma_semaphore, #tpu.memory_space<semaphore_mem>> -> memref<1x!tpu.dma_semaphore, #tpu.memory_space<semaphore_mem>>
      %dma_start3A_203 = tpu.memref_squeeze %dma_start3A_202 : memref<1x!tpu.dma_semaphore, #tpu.memory_space<semaphore_mem>> -> memref<!tpu.dma_semaphore, #tpu.memory_space<semaphore_mem>>
      %dma_start3A_204 = arith.constant 0 : i32
      %dma_start3A_205 = tpu.memref_slice %arg4[%add3A_193, %dma_start3A_204] : memref<409600x32xf32, #tpu.memory_space<hbm>> -> memref<128x32xf32, #tpu.memory_space<hbm>>
      %dma_start3A_206 = arith.constant 0 : i32
      %dma_start3A_207 = arith.constant 0 : i32
      %dma_start3A_208 = tpu.memref_slice %arg6[%dma_start3A_194, %dma_start3A_206, %dma_start3A_207] : memref<4x128x32xf32, #tpu.memory_space<vmem>> -> memref<1x128x32xf32, #tpu.memory_space<vmem>>
      %dma_start3A_209 = tpu.memref_squeeze %dma_start3A_208 : memref<1x128x32xf32, #tpu.memory_space<vmem>> -> memref<128x32xf32, #tpu.memory_space<vmem>>
      tpu.enqueue_dma source(%dma_start3A_209 : memref<128x32xf32, #tpu.memory_space<vmem>>) target(%dma_start3A_205 : memref<128x32xf32, #tpu.memory_space<hbm>>) target_semaphore(%dma_start3A_203 : memref<!tpu.dma_semaphore, #tpu.memory_space<semaphore_mem>>)
      %dma_wait3A_210 = arith.constant 0 : i32
      %dma_wait3A_211 = arith.constant 0 : i32
      %dma_wait3A_212 = arith.constant 0 : i32
      %dma_wait3A_213 = arith.constant 0 : i32
      %dma_wait3A_214 = tpu.memref_slice %arg6[%dma_wait3A_210, %dma_wait3A_212, %dma_wait3A_213] : memref<4x128x32xf32, #tpu.memory_space<vmem>> -> memref<1x128x32xf32, #tpu.memory_space<vmem>>
      %dma_wait3A_215 = tpu.memref_squeeze %dma_wait3A_214 : memref<1x128x32xf32, #tpu.memory_space<vmem>> -> memref<128x32xf32, #tpu.memory_space<vmem>>
      %dma_wait3A_216 = arith.constant 0 : i32
      %dma_wait3A_217 = tpu.memref_slice %arg4[%add3A_94, %dma_wait3A_216] : memref<409600x32xf32, #tpu.memory_space<hbm>> -> memref<128x32xf32, #tpu.memory_space<hbm>>
      %dma_wait3A_218 = tpu.memref_slice %arg9[%dma_wait3A_211] : memref<4x!tpu.dma_semaphore, #tpu.memory_space<semaphore_mem>> -> memref<1x!tpu.dma_semaphore, #tpu.memory_space<semaphore_mem>>
      %dma_wait3A_219 = tpu.memref_squeeze %dma_wait3A_218 : memref<1x!tpu.dma_semaphore, #tpu.memory_space<semaphore_mem>> -> memref<!tpu.dma_semaphore, #tpu.memory_space<semaphore_mem>>
      %dma_wait3A_220 = arith.constant 0 : i32
      %dma_wait3A_221 = tpu.memref_slice %arg4[%add3A_94, %dma_wait3A_220] : memref<409600x32xf32, #tpu.memory_space<hbm>> -> memref<128x32xf32, #tpu.memory_space<hbm>>
      %dma_wait3A_222 = arith.constant 0 : i32
      %dma_wait3A_223 = arith.constant 0 : i32
      %dma_wait3A_224 = tpu.memref_slice %arg6[%dma_wait3A_210, %dma_wait3A_222, %dma_wait3A_223] : memref<4x128x32xf32, #tpu.memory_space<vmem>> -> memref<1x128x32xf32, #tpu.memory_space<vmem>>
      %dma_wait3A_225 = tpu.memref_squeeze %dma_wait3A_224 : memref<1x128x32xf32, #tpu.memory_space<vmem>> -> memref<128x32xf32, #tpu.memory_space<vmem>>
      tpu.wait_dma2 semaphore(%dma_wait3A_219 : memref<!tpu.dma_semaphore, #tpu.memory_space<semaphore_mem>>) src(%dma_wait3A_225 : memref<128x32xf32, #tpu.memory_space<vmem>>) dst(%dma_wait3A_221 : memref<128x32xf32, #tpu.memory_space<hbm>>)
      %dma_wait3A_226 = arith.constant 1 : i32
      %dma_wait3A_227 = arith.constant 1 : i32
      %dma_wait3A_228 = arith.constant 0 : i32
      %dma_wait3A_229 = arith.constant 0 : i32
      %dma_wait3A_230 = tpu.memref_slice %arg6[%dma_wait3A_226, %dma_wait3A_228, %dma_wait3A_229] : memref<4x128x32xf32, #tpu.memory_space<vmem>> -> memref<1x128x32xf32, #tpu.memory_space<vmem>>
      %dma_wait3A_231 = tpu.memref_squeeze %dma_wait3A_230 : memref<1x128x32xf32, #tpu.memory_space<vmem>> -> memref<128x32xf32, #tpu.memory_space<vmem>>
      %dma_wait3A_232 = arith.constant 0 : i32
      %dma_wait3A_233 = tpu.memref_slice %arg4[%add3A_127, %dma_wait3A_232] : memref<409600x32xf32, #tpu.memory_space<hbm>> -> memref<128x32xf32, #tpu.memory_space<hbm>>
      %dma_wait3A_234 = tpu.memref_slice %arg9[%dma_wait3A_227] : memref<4x!tpu.dma_semaphore, #tpu.memory_space<semaphore_mem>> -> memref<1x!tpu.dma_semaphore, #tpu.memory_space<semaphore_mem>>
      %dma_wait3A_235 = tpu.memref_squeeze %dma_wait3A_234 : memref<1x!tpu.dma_semaphore, #tpu.memory_space<semaphore_mem>> -> memref<!tpu.dma_semaphore, #tpu.memory_space<semaphore_mem>>
      %dma_wait3A_236 = arith.constant 0 : i32
      %dma_wait3A_237 = tpu.memref_slice %arg4[%add3A_127, %dma_wait3A_236] : memref<409600x32xf32, #tpu.memory_space<hbm>> -> memref<128x32xf32, #tpu.memory_space<hbm>>
      %dma_wait3A_238 = arith.constant 0 : i32
      %dma_wait3A_239 = arith.constant 0 : i32
      %dma_wait3A_240 = tpu.memref_slice %arg6[%dma_wait3A_226, %dma_wait3A_238, %dma_wait3A_239] : memref<4x128x32xf32, #tpu.memory_space<vmem>> -> memref<1x128x32xf32, #tpu.memory_space<vmem>>
      %dma_wait3A_241 = tpu.memref_squeeze %dma_wait3A_240 : memref<1x128x32xf32, #tpu.memory_space<vmem>> -> memref<128x32xf32, #tpu.memory_space<vmem>>
      tpu.wait_dma2 semaphore(%dma_wait3A_235 : memref<!tpu.dma_semaphore, #tpu.memory_space<semaphore_mem>>) src(%dma_wait3A_241 : memref<128x32xf32, #tpu.memory_space<vmem>>) dst(%dma_wait3A_237 : memref<128x32xf32, #tpu.memory_space<hbm>>)
      %dma_wait3A_242 = arith.constant 2 : i32
      %dma_wait3A_243 = arith.constant 2 : i32
      %dma_wait3A_244 = arith.constant 0 : i32
      %dma_wait3A_245 = arith.constant 0 : i32
      %dma_wait3A_246 = tpu.memref_slice %arg6[%dma_wait3A_242, %dma_wait3A_244, %dma_wait3A_245] : memref<4x128x32xf32, #tpu.memory_space<vmem>> -> memref<1x128x32xf32, #tpu.memory_space<vmem>>
      %dma_wait3A_247 = tpu.memref_squeeze %dma_wait3A_246 : memref<1x128x32xf32, #tpu.memory_space<vmem>> -> memref<128x32xf32, #tpu.memory_space<vmem>>
      %dma_wait3A_248 = arith.constant 0 : i32
      %dma_wait3A_249 = tpu.memref_slice %arg4[%add3A_160, %dma_wait3A_248] : memref<409600x32xf32, #tpu.memory_space<hbm>> -> memref<128x32xf32, #tpu.memory_space<hbm>>
      %dma_wait3A_250 = tpu.memref_slice %arg9[%dma_wait3A_243] : memref<4x!tpu.dma_semaphore, #tpu.memory_space<semaphore_mem>> -> memref<1x!tpu.dma_semaphore, #tpu.memory_space<semaphore_mem>>
      %dma_wait3A_251 = tpu.memref_squeeze %dma_wait3A_250 : memref<1x!tpu.dma_semaphore, #tpu.memory_space<semaphore_mem>> -> memref<!tpu.dma_semaphore, #tpu.memory_space<semaphore_mem>>
      %dma_wait3A_252 = arith.constant 0 : i32
      %dma_wait3A_253 = tpu.memref_slice %arg4[%add3A_160, %dma_wait3A_252] : memref<409600x32xf32, #tpu.memory_space<hbm>> -> memref<128x32xf32, #tpu.memory_space<hbm>>
      %dma_wait3A_254 = arith.constant 0 : i32
      %dma_wait3A_255 = arith.constant 0 : i32
      %dma_wait3A_256 = tpu.memref_slice %arg6[%dma_wait3A_242, %dma_wait3A_254, %dma_wait3A_255] : memref<4x128x32xf32, #tpu.memory_space<vmem>> -> memref<1x128x32xf32, #tpu.memory_space<vmem>>
      %dma_wait3A_257 = tpu.memref_squeeze %dma_wait3A_256 : memref<1x128x32xf32, #tpu.memory_space<vmem>> -> memref<128x32xf32, #tpu.memory_space<vmem>>
      tpu.wait_dma2 semaphore(%dma_wait3A_251 : memref<!tpu.dma_semaphore, #tpu.memory_space<semaphore_mem>>) src(%dma_wait3A_257 : memref<128x32xf32, #tpu.memory_space<vmem>>) dst(%dma_wait3A_253 : memref<128x32xf32, #tpu.memory_space<hbm>>)
      %dma_wait3A_258 = arith.constant 3 : i32
      %dma_wait3A_259 = arith.constant 3 : i32
      %dma_wait3A_260 = arith.constant 0 : i32
      %dma_wait3A_261 = arith.constant 0 : i32
      %dma_wait3A_262 = tpu.memref_slice %arg6[%dma_wait3A_258, %dma_wait3A_260, %dma_wait3A_261] : memref<4x128x32xf32, #tpu.memory_space<vmem>> -> memref<1x128x32xf32, #tpu.memory_space<vmem>>
      %dma_wait3A_263 = tpu.memref_squeeze %dma_wait3A_262 : memref<1x128x32xf32, #tpu.memory_space<vmem>> -> memref<128x32xf32, #tpu.memory_space<vmem>>
      %dma_wait3A_264 = arith.constant 0 : i32
      %dma_wait3A_265 = tpu.memref_slice %arg4[%add3A_193, %dma_wait3A_264] : memref<409600x32xf32, #tpu.memory_space<hbm>> -> memref<128x32xf32, #tpu.memory_space<hbm>>
      %dma_wait3A_266 = tpu.memref_slice %arg9[%dma_wait3A_259] : memref<4x!tpu.dma_semaphore, #tpu.memory_space<semaphore_mem>> -> memref<1x!tpu.dma_semaphore, #tpu.memory_space<semaphore_mem>>
      %dma_wait3A_267 = tpu.memref_squeeze %dma_wait3A_266 : memref<1x!tpu.dma_semaphore, #tpu.memory_space<semaphore_mem>> -> memref<!tpu.dma_semaphore, #tpu.memory_space<semaphore_mem>>
      %dma_wait3A_268 = arith.constant 0 : i32
      %dma_wait3A_269 = tpu.memref_slice %arg4[%add3A_193, %dma_wait3A_268] : memref<409600x32xf32, #tpu.memory_space<hbm>> -> memref<128x32xf32, #tpu.memory_space<hbm>>
      %dma_wait3A_270 = arith.constant 0 : i32
      %dma_wait3A_271 = arith.constant 0 : i32
      %dma_wait3A_272 = tpu.memref_slice %arg6[%dma_wait3A_258, %dma_wait3A_270, %dma_wait3A_271] : memref<4x128x32xf32, #tpu.memory_space<vmem>> -> memref<1x128x32xf32, #tpu.memory_space<vmem>>
      %dma_wait3A_273 = tpu.memref_squeeze %dma_wait3A_272 : memref<1x128x32xf32, #tpu.memory_space<vmem>> -> memref<128x32xf32, #tpu.memory_space<vmem>>
      tpu.wait_dma2 semaphore(%dma_wait3A_267 : memref<!tpu.dma_semaphore, #tpu.memory_space<semaphore_mem>>) src(%dma_wait3A_273 : memref<128x32xf32, #tpu.memory_space<vmem>>) dst(%dma_wait3A_269 : memref<128x32xf32, #tpu.memory_space<hbm>>)
    }
    %scan3A_8 = arith.constant 25 : i32
    return
  }
}

#map = affine_map<(d0, d1) -> (0)>
#map1 = affine_map<(d0, d1) -> (0, 0)>
module attributes {stable_mosaic.version = 14 : i64} {
  func.func @_sc_gather(%arg0: i32, %arg1: i32, %arg2: memref<409600xi32, #tpu.memory_space<hbm>>, %arg3: memref<1007616x32xf32, #tpu.memory_space<hbm>>, %arg4: memref<409600x32xf32, #tpu.memory_space<hbm>>, %arg5: memref<12800xi32, #tpu.memory_space<vmem>>, %arg6: memref<4x128x32xf32, #tpu.memory_space<vmem>>, %arg7: memref<!tpu.dma_semaphore, #tpu.memory_space<semaphore_mem>>, %arg8: memref<4x!tpu.dma_semaphore, #tpu.memory_space<semaphore_mem>>, %arg9: memref<4x!tpu.dma_semaphore, #tpu.memory_space<semaphore_mem>>) attributes {dimension_semantics = [#tpu.dimension_semantics<core_parallel>, #tpu.dimension_semantics<subcore_parallel>], iteration_bounds = array<i64: 2, 16>, scalar_prefetch = 0 : i64, scratch_operands = 5 : i64, tpu.core_type = #tpu.core_type<sc_vector_subcore>, window_params = [{transform_indices = #map}, {transform_indices = #map1}, {transform_indices = #map1}]} {
    %mul3A = arith.constant 2 : i32
    %mul3A_0 = arith.muli %arg1, %mul3A : i32
    %add3A = arith.addi %mul3A_0, %arg0 : i32
    %mul3A_1 = arith.constant 12800 : i32
    %mul3A_2 = arith.muli %add3A, %mul3A_1 : i32
    %dma_start3A = tpu.memref_slice %arg2[%mul3A_2] : memref<409600xi32, #tpu.memory_space<hbm>> -> memref<12800xi32, #tpu.memory_space<hbm>>
    %dma_start3A_3 = tpu.memref_slice %arg2[%mul3A_2] : memref<409600xi32, #tpu.memory_space<hbm>> -> memref<12800xi32, #tpu.memory_space<hbm>>
    tpu.enqueue_dma source(%dma_start3A_3 : memref<12800xi32, #tpu.memory_space<hbm>>) target(%arg5 : memref<12800xi32, #tpu.memory_space<vmem>>) target_semaphore(%arg7 : memref<!tpu.dma_semaphore, #tpu.memory_space<semaphore_mem>>)
    %dma_wait3A = tpu.memref_slice %arg2[%mul3A_2] : memref<409600xi32, #tpu.memory_space<hbm>> -> memref<12800xi32, #tpu.memory_space<hbm>>
    %dma_wait3A_4 = tpu.memref_slice %arg2[%mul3A_2] : memref<409600xi32, #tpu.memory_space<hbm>> -> memref<12800xi32, #tpu.memory_space<hbm>>
    tpu.wait_dma2 semaphore(%arg7 : memref<!tpu.dma_semaphore, #tpu.memory_space<semaphore_mem>>) src(%dma_wait3A_4 : memref<12800xi32, #tpu.memory_space<hbm>>) dst(%arg5 : memref<12800xi32, #tpu.memory_space<vmem>>)
    %scan3A = arith.constant 0 : i32
    %scan3A_5 = arith.constant 25 : i32
    %scan3A_6 = arith.addi %scan3A, %scan3A_5 : i32
    %scan3A_7 = arith.constant 1 : i32
    scf.for %scan3A_9 = %scan3A to %scan3A_6 step %scan3A_7  : i32 {
      %mul3A_10 = arith.constant 4 : i32
      %mul3A_11 = arith.muli %scan3A_9, %mul3A_10 : i32
      %add3A_12 = arith.constant 0 : i32
      %add3A_13 = arith.addi %add3A_12, %mul3A_11 : i32
      %add3A_14 = arith.constant 0 : i32
      %add3A_15 = arith.addi %add3A_13, %add3A_14 : i32
      %mul3A_16 = arith.constant 128 : i32
      %mul3A_17 = arith.muli %add3A_15, %mul3A_16 : i32
      %dma_start3A_18 = arith.constant 0 : i32
      %dma_start3A_19 = arith.constant 0 : i32
      %dma_start3A_20 = arith.constant 0 : i32
      %dma_start3A_21 = arith.constant 0 : i32
      %dma_start3A_22 = tpu.memref_slice %arg6[%dma_start3A_18, %dma_start3A_20, %dma_start3A_21] : memref<4x128x32xf32, #tpu.memory_space<vmem>> -> memref<1x128x32xf32, #tpu.memory_space<vmem>>
      %dma_start3A_23 = tpu.memref_squeeze %dma_start3A_22 : memref<1x128x32xf32, #tpu.memory_space<vmem>> -> memref<128x32xf32, #tpu.memory_space<vmem>>
      %dma_start3A_24 = tpu.memref_slice %arg5[%mul3A_17] : memref<12800xi32, #tpu.memory_space<vmem>> -> memref<128xi32, #tpu.memory_space<vmem>>
      %dma_start3A_25 = arith.constant 0 : i32
      %dma_start3A_26 = arith.constant 0 : i32
      %dma_start3A_27 = tpu.memref_slice %arg3[%dma_start3A_25, %dma_start3A_26] : memref<1007616x32xf32, #tpu.memory_space<hbm>> -> memref<1007616x32xf32, #tpu.memory_space<hbm>>
      %dma_start3A_28 = tpu.memref_slice %arg8[%dma_start3A_19] : memref<4x!tpu.dma_semaphore, #tpu.memory_space<semaphore_mem>> -> memref<1x!tpu.dma_semaphore, #tpu.memory_space<semaphore_mem>>
      %dma_start3A_29 = tpu.memref_squeeze %dma_start3A_28 : memref<1x!tpu.dma_semaphore, #tpu.memory_space<semaphore_mem>> -> memref<!tpu.dma_semaphore, #tpu.memory_space<semaphore_mem>>
      tpu.enqueue_indirect_dma source(%dma_start3A_27 : memref<1007616x32xf32, #tpu.memory_space<hbm>>) target(%dma_start3A_23 : memref<128x32xf32, #tpu.memory_space<vmem>>) offsets(%dma_start3A_24 : memref<128xi32, #tpu.memory_space<vmem>>) semaphore(%dma_start3A_29 : memref<!tpu.dma_semaphore, #tpu.memory_space<semaphore_mem>>)
      %add3A_30 = arith.constant 1 : i32
      %add3A_31 = arith.addi %add3A_13, %add3A_30 : i32
      %mul3A_32 = arith.constant 128 : i32
      %mul3A_33 = arith.muli %add3A_31, %mul3A_32 : i32
      %dma_start3A_34 = arith.constant 1 : i32
      %dma_start3A_35 = arith.constant 1 : i32
      %dma_start3A_36 = arith.constant 0 : i32
      %dma_start3A_37 = arith.constant 0 : i32
      %dma_start3A_38 = tpu.memref_slice %arg6[%dma_start3A_34, %dma_start3A_36, %dma_start3A_37] : memref<4x128x32xf32, #tpu.memory_space<vmem>> -> memref<1x128x32xf32, #tpu.memory_space<vmem>>
      %dma_start3A_39 = tpu.memref_squeeze %dma_start3A_38 : memref<1x128x32xf32, #tpu.memory_space<vmem>> -> memref<128x32xf32, #tpu.memory_space<vmem>>
      %dma_start3A_40 = tpu.memref_slice %arg5[%mul3A_33] : memref<12800xi32, #tpu.memory_space<vmem>> -> memref<128xi32, #tpu.memory_space<vmem>>
      %dma_start3A_41 = arith.constant 0 : i32
      %dma_start3A_42 = arith.constant 0 : i32
      %dma_start3A_43 = tpu.memref_slice %arg3[%dma_start3A_41, %dma_start3A_42] : memref<1007616x32xf32, #tpu.memory_space<hbm>> -> memref<1007616x32xf32, #tpu.memory_space<hbm>>
      %dma_start3A_44 = tpu.memref_slice %arg8[%dma_start3A_35] : memref<4x!tpu.dma_semaphore, #tpu.memory_space<semaphore_mem>> -> memref<1x!tpu.dma_semaphore, #tpu.memory_space<semaphore_mem>>
      %dma_start3A_45 = tpu.memref_squeeze %dma_start3A_44 : memref<1x!tpu.dma_semaphore, #tpu.memory_space<semaphore_mem>> -> memref<!tpu.dma_semaphore, #tpu.memory_space<semaphore_mem>>
      tpu.enqueue_indirect_dma source(%dma_start3A_43 : memref<1007616x32xf32, #tpu.memory_space<hbm>>) target(%dma_start3A_39 : memref<128x32xf32, #tpu.memory_space<vmem>>) offsets(%dma_start3A_40 : memref<128xi32, #tpu.memory_space<vmem>>) semaphore(%dma_start3A_45 : memref<!tpu.dma_semaphore, #tpu.memory_space<semaphore_mem>>)
      %add3A_46 = arith.constant 2 : i32
      %add3A_47 = arith.addi %add3A_13, %add3A_46 : i32
      %mul3A_48 = arith.constant 128 : i32
      %mul3A_49 = arith.muli %add3A_47, %mul3A_48 : i32
      %dma_start3A_50 = arith.constant 2 : i32
      %dma_start3A_51 = arith.constant 2 : i32
      %dma_start3A_52 = arith.constant 0 : i32
      %dma_start3A_53 = arith.constant 0 : i32
      %dma_start3A_54 = tpu.memref_slice %arg6[%dma_start3A_50, %dma_start3A_52, %dma_start3A_53] : memref<4x128x32xf32, #tpu.memory_space<vmem>> -> memref<1x128x32xf32, #tpu.memory_space<vmem>>
      %dma_start3A_55 = tpu.memref_squeeze %dma_start3A_54 : memref<1x128x32xf32, #tpu.memory_space<vmem>> -> memref<128x32xf32, #tpu.memory_space<vmem>>
      %dma_start3A_56 = tpu.memref_slice %arg5[%mul3A_49] : memref<12800xi32, #tpu.memory_space<vmem>> -> memref<128xi32, #tpu.memory_space<vmem>>
      %dma_start3A_57 = arith.constant 0 : i32
      %dma_start3A_58 = arith.constant 0 : i32
      %dma_start3A_59 = tpu.memref_slice %arg3[%dma_start3A_57, %dma_start3A_58] : memref<1007616x32xf32, #tpu.memory_space<hbm>> -> memref<1007616x32xf32, #tpu.memory_space<hbm>>
      %dma_start3A_60 = tpu.memref_slice %arg8[%dma_start3A_51] : memref<4x!tpu.dma_semaphore, #tpu.memory_space<semaphore_mem>> -> memref<1x!tpu.dma_semaphore, #tpu.memory_space<semaphore_mem>>
      %dma_start3A_61 = tpu.memref_squeeze %dma_start3A_60 : memref<1x!tpu.dma_semaphore, #tpu.memory_space<semaphore_mem>> -> memref<!tpu.dma_semaphore, #tpu.memory_space<semaphore_mem>>
      tpu.enqueue_indirect_dma source(%dma_start3A_59 : memref<1007616x32xf32, #tpu.memory_space<hbm>>) target(%dma_start3A_55 : memref<128x32xf32, #tpu.memory_space<vmem>>) offsets(%dma_start3A_56 : memref<128xi32, #tpu.memory_space<vmem>>) semaphore(%dma_start3A_61 : memref<!tpu.dma_semaphore, #tpu.memory_space<semaphore_mem>>)
      %add3A_62 = arith.constant 3 : i32
      %add3A_63 = arith.addi %add3A_13, %add3A_62 : i32
      %mul3A_64 = arith.constant 128 : i32
      %mul3A_65 = arith.muli %add3A_63, %mul3A_64 : i32
      %dma_start3A_66 = arith.constant 3 : i32
      %dma_start3A_67 = arith.constant 3 : i32
      %dma_start3A_68 = arith.constant 0 : i32
      %dma_start3A_69 = arith.constant 0 : i32
      %dma_start3A_70 = tpu.memref_slice %arg6[%dma_start3A_66, %dma_start3A_68, %dma_start3A_69] : memref<4x128x32xf32, #tpu.memory_space<vmem>> -> memref<1x128x32xf32, #tpu.memory_space<vmem>>
      %dma_start3A_71 = tpu.memref_squeeze %dma_start3A_70 : memref<1x128x32xf32, #tpu.memory_space<vmem>> -> memref<128x32xf32, #tpu.memory_space<vmem>>
      %dma_start3A_72 = tpu.memref_slice %arg5[%mul3A_65] : memref<12800xi32, #tpu.memory_space<vmem>> -> memref<128xi32, #tpu.memory_space<vmem>>
      %dma_start3A_73 = arith.constant 0 : i32
      %dma_start3A_74 = arith.constant 0 : i32
      %dma_start3A_75 = tpu.memref_slice %arg3[%dma_start3A_73, %dma_start3A_74] : memref<1007616x32xf32, #tpu.memory_space<hbm>> -> memref<1007616x32xf32, #tpu.memory_space<hbm>>
      %dma_start3A_76 = tpu.memref_slice %arg8[%dma_start3A_67] : memref<4x!tpu.dma_semaphore, #tpu.memory_space<semaphore_mem>> -> memref<1x!tpu.dma_semaphore, #tpu.memory_space<semaphore_mem>>
      %dma_start3A_77 = tpu.memref_squeeze %dma_start3A_76 : memref<1x!tpu.dma_semaphore, #tpu.memory_space<semaphore_mem>> -> memref<!tpu.dma_semaphore, #tpu.memory_space<semaphore_mem>>
      tpu.enqueue_indirect_dma source(%dma_start3A_75 : memref<1007616x32xf32, #tpu.memory_space<hbm>>) target(%dma_start3A_71 : memref<128x32xf32, #tpu.memory_space<vmem>>) offsets(%dma_start3A_72 : memref<128xi32, #tpu.memory_space<vmem>>) semaphore(%dma_start3A_77 : memref<!tpu.dma_semaphore, #tpu.memory_space<semaphore_mem>>)
      %dma_wait3A_78 = arith.constant 0 : i32
      %dma_wait3A_79 = arith.constant 0 : i32
      %dma_wait3A_80 = arith.constant 0 : i32
      %dma_wait3A_81 = arith.constant 0 : i32
      %dma_wait3A_82 = tpu.memref_slice %arg6[%dma_wait3A_78, %dma_wait3A_80, %dma_wait3A_81] : memref<4x128x32xf32, #tpu.memory_space<vmem>> -> memref<1x128x32xf32, #tpu.memory_space<vmem>>
      %dma_wait3A_83 = tpu.memref_squeeze %dma_wait3A_82 : memref<1x128x32xf32, #tpu.memory_space<vmem>> -> memref<128x32xf32, #tpu.memory_space<vmem>>
      %dma_wait3A_84 = tpu.memref_slice %arg5[%mul3A_17] : memref<12800xi32, #tpu.memory_space<vmem>> -> memref<128xi32, #tpu.memory_space<vmem>>
      %dma_wait3A_85 = arith.constant 0 : i32
      %dma_wait3A_86 = arith.constant 0 : i32
      %dma_wait3A_87 = tpu.memref_slice %arg3[%dma_wait3A_85, %dma_wait3A_86] : memref<1007616x32xf32, #tpu.memory_space<hbm>> -> memref<1007616x32xf32, #tpu.memory_space<hbm>>
      %dma_wait3A_88 = tpu.memref_slice %arg8[%dma_wait3A_79] : memref<4x!tpu.dma_semaphore, #tpu.memory_space<semaphore_mem>> -> memref<1x!tpu.dma_semaphore, #tpu.memory_space<semaphore_mem>>
      %dma_wait3A_89 = tpu.memref_squeeze %dma_wait3A_88 : memref<1x!tpu.dma_semaphore, #tpu.memory_space<semaphore_mem>> -> memref<!tpu.dma_semaphore, #tpu.memory_space<semaphore_mem>>
      tpu.wait_indirect_dma semaphore(%dma_wait3A_89 : memref<!tpu.dma_semaphore, #tpu.memory_space<semaphore_mem>>) src(%dma_wait3A_87 : memref<1007616x32xf32, #tpu.memory_space<hbm>>) dst(%dma_wait3A_83 : memref<128x32xf32, #tpu.memory_space<vmem>>)
      %add3A_90 = arith.constant 0 : i32
      %add3A_91 = arith.addi %add3A_13, %add3A_90 : i32
      %mul3A_92 = arith.constant 128 : i32
      %mul3A_93 = arith.muli %add3A_91, %mul3A_92 : i32
      %add3A_94 = arith.addi %mul3A_2, %mul3A_93 : i32
      %dma_start3A_95 = arith.constant 0 : i32
      %dma_start3A_96 = arith.constant 0 : i32
      %dma_start3A_97 = arith.constant 0 : i32
      %dma_start3A_98 = arith.constant 0 : i32
      %dma_start3A_99 = tpu.memref_slice %arg6[%dma_start3A_95, %dma_start3A_97, %dma_start3A_98] : memref<4x128x32xf32, #tpu.memory_space<vmem>> -> memref<1x128x32xf32, #tpu.memory_space<vmem>>
      %dma_start3A_100 = tpu.memref_squeeze %dma_start3A_99 : memref<1x128x32xf32, #tpu.memory_space<vmem>> -> memref<128x32xf32, #tpu.memory_space<vmem>>
      %dma_start3A_101 = arith.constant 0 : i32
      %dma_start3A_102 = tpu.memref_slice %arg4[%add3A_94, %dma_start3A_101] : memref<409600x32xf32, #tpu.memory_space<hbm>> -> memref<128x32xf32, #tpu.memory_space<hbm>>
      %dma_start3A_103 = tpu.memref_slice %arg9[%dma_start3A_96] : memref<4x!tpu.dma_semaphore, #tpu.memory_space<semaphore_mem>> -> memref<1x!tpu.dma_semaphore, #tpu.memory_space<semaphore_mem>>
      %dma_start3A_104 = tpu.memref_squeeze %dma_start3A_103 : memref<1x!tpu.dma_semaphore, #tpu.memory_space<semaphore_mem>> -> memref<!tpu.dma_semaphore, #tpu.memory_space<semaphore_mem>>
      %dma_start3A_105 = arith.constant 0 : i32
      %dma_start3A_106 = tpu.memref_slice %arg4[%add3A_94, %dma_start3A_105] : memref<409600x32xf32, #tpu.memory_space<hbm>> -> memref<128x32xf32, #tpu.memory_space<hbm>>
      %dma_start3A_107 = arith.constant 0 : i32
      %dma_start3A_108 = arith.constant 0 : i32
      %dma_start3A_109 = tpu.memref_slice %arg6[%dma_start3A_95, %dma_start3A_107, %dma_start3A_108] : memref<4x128x32xf32, #tpu.memory_space<vmem>> -> memref<1x128x32xf32, #tpu.memory_space<vmem>>
      %dma_start3A_110 = tpu.memref_squeeze %dma_start3A_109 : memref<1x128x32xf32, #tpu.memory_space<vmem>> -> memref<128x32xf32, #tpu.memory_space<vmem>>
      tpu.enqueue_dma source(%dma_start3A_110 : memref<128x32xf32, #tpu.memory_space<vmem>>) target(%dma_start3A_106 : memref<128x32xf32, #tpu.memory_space<hbm>>) target_semaphore(%dma_start3A_104 : memref<!tpu.dma_semaphore, #tpu.memory_space<semaphore_mem>>)
      %dma_wait3A_111 = arith.constant 1 : i32
      %dma_wait3A_112 = arith.constant 1 : i32
      %dma_wait3A_113 = arith.constant 0 : i32
      %dma_wait3A_114 = arith.constant 0 : i32
      %dma_wait3A_115 = tpu.memref_slice %arg6[%dma_wait3A_111, %dma_wait3A_113, %dma_wait3A_114] : memref<4x128x32xf32, #tpu.memory_space<vmem>> -> memref<1x128x32xf32, #tpu.memory_space<vmem>>
      %dma_wait3A_116 = tpu.memref_squeeze %dma_wait3A_115 : memref<1x128x32xf32, #tpu.memory_space<vmem>> -> memref<128x32xf32, #tpu.memory_space<vmem>>
      %dma_wait3A_117 = tpu.memref_slice %arg5[%mul3A_33] : memref<12800xi32, #tpu.memory_space<vmem>> -> memref<128xi32, #tpu.memory_space<vmem>>
      %dma_wait3A_118 = arith.constant 0 : i32
      %dma_wait3A_119 = arith.constant 0 : i32
      %dma_wait3A_120 = tpu.memref_slice %arg3[%dma_wait3A_118, %dma_wait3A_119] : memref<1007616x32xf32, #tpu.memory_space<hbm>> -> memref<1007616x32xf32, #tpu.memory_space<hbm>>
      %dma_wait3A_121 = tpu.memref_slice %arg8[%dma_wait3A_112] : memref<4x!tpu.dma_semaphore, #tpu.memory_space<semaphore_mem>> -> memref<1x!tpu.dma_semaphore, #tpu.memory_space<semaphore_mem>>
      %dma_wait3A_122 = tpu.memref_squeeze %dma_wait3A_121 : memref<1x!tpu.dma_semaphore, #tpu.memory_space<semaphore_mem>> -> memref<!tpu.dma_semaphore, #tpu.memory_space<semaphore_mem>>
      tpu.wait_indirect_dma semaphore(%dma_wait3A_122 : memref<!tpu.dma_semaphore, #tpu.memory_space<semaphore_mem>>) src(%dma_wait3A_120 : memref<1007616x32xf32, #tpu.memory_space<hbm>>) dst(%dma_wait3A_116 : memref<128x32xf32, #tpu.memory_space<vmem>>)
      %add3A_123 = arith.constant 1 : i32
      %add3A_124 = arith.addi %add3A_13, %add3A_123 : i32
      %mul3A_125 = arith.constant 128 : i32
      %mul3A_126 = arith.muli %add3A_124, %mul3A_125 : i32
      %add3A_127 = arith.addi %mul3A_2, %mul3A_126 : i32
      %dma_start3A_128 = arith.constant 1 : i32
      %dma_start3A_129 = arith.constant 1 : i32
      %dma_start3A_130 = arith.constant 0 : i32
      %dma_start3A_131 = arith.constant 0 : i32
      %dma_start3A_132 = tpu.memref_slice %arg6[%dma_start3A_128, %dma_start3A_130, %dma_start3A_131] : memref<4x128x32xf32, #tpu.memory_space<vmem>> -> memref<1x128x32xf32, #tpu.memory_space<vmem>>
      %dma_start3A_133 = tpu.memref_squeeze %dma_start3A_132 : memref<1x128x32xf32, #tpu.memory_space<vmem>> -> memref<128x32xf32, #tpu.memory_space<vmem>>
      %dma_start3A_134 = arith.constant 0 : i32
      %dma_start3A_135 = tpu.memref_slice %arg4[%add3A_127, %dma_start3A_134] : memref<409600x32xf32, #tpu.memory_space<hbm>> -> memref<128x32xf32, #tpu.memory_space<hbm>>
      %dma_start3A_136 = tpu.memref_slice %arg9[%dma_start3A_129] : memref<4x!tpu.dma_semaphore, #tpu.memory_space<semaphore_mem>> -> memref<1x!tpu.dma_semaphore, #tpu.memory_space<semaphore_mem>>
      %dma_start3A_137 = tpu.memref_squeeze %dma_start3A_136 : memref<1x!tpu.dma_semaphore, #tpu.memory_space<semaphore_mem>> -> memref<!tpu.dma_semaphore, #tpu.memory_space<semaphore_mem>>
      %dma_start3A_138 = arith.constant 0 : i32
      %dma_start3A_139 = tpu.memref_slice %arg4[%add3A_127, %dma_start3A_138] : memref<409600x32xf32, #tpu.memory_space<hbm>> -> memref<128x32xf32, #tpu.memory_space<hbm>>
      %dma_start3A_140 = arith.constant 0 : i32
      %dma_start3A_141 = arith.constant 0 : i32
      %dma_start3A_142 = tpu.memref_slice %arg6[%dma_start3A_128, %dma_start3A_140, %dma_start3A_141] : memref<4x128x32xf32, #tpu.memory_space<vmem>> -> memref<1x128x32xf32, #tpu.memory_space<vmem>>
      %dma_start3A_143 = tpu.memref_squeeze %dma_start3A_142 : memref<1x128x32xf32, #tpu.memory_space<vmem>> -> memref<128x32xf32, #tpu.memory_space<vmem>>
      tpu.enqueue_dma source(%dma_start3A_143 : memref<128x32xf32, #tpu.memory_space<vmem>>) target(%dma_start3A_139 : memref<128x32xf32, #tpu.memory_space<hbm>>) target_semaphore(%dma_start3A_137 : memref<!tpu.dma_semaphore, #tpu.memory_space<semaphore_mem>>)
      %dma_wait3A_144 = arith.constant 2 : i32
      %dma_wait3A_145 = arith.constant 2 : i32
      %dma_wait3A_146 = arith.constant 0 : i32
      %dma_wait3A_147 = arith.constant 0 : i32
      %dma_wait3A_148 = tpu.memref_slice %arg6[%dma_wait3A_144, %dma_wait3A_146, %dma_wait3A_147] : memref<4x128x32xf32, #tpu.memory_space<vmem>> -> memref<1x128x32xf32, #tpu.memory_space<vmem>>
      %dma_wait3A_149 = tpu.memref_squeeze %dma_wait3A_148 : memref<1x128x32xf32, #tpu.memory_space<vmem>> -> memref<128x32xf32, #tpu.memory_space<vmem>>
      %dma_wait3A_150 = tpu.memref_slice %arg5[%mul3A_49] : memref<12800xi32, #tpu.memory_space<vmem>> -> memref<128xi32, #tpu.memory_space<vmem>>
      %dma_wait3A_151 = arith.constant 0 : i32
      %dma_wait3A_152 = arith.constant 0 : i32
      %dma_wait3A_153 = tpu.memref_slice %arg3[%dma_wait3A_151, %dma_wait3A_152] : memref<1007616x32xf32, #tpu.memory_space<hbm>> -> memref<1007616x32xf32, #tpu.memory_space<hbm>>
      %dma_wait3A_154 = tpu.memref_slice %arg8[%dma_wait3A_145] : memref<4x!tpu.dma_semaphore, #tpu.memory_space<semaphore_mem>> -> memref<1x!tpu.dma_semaphore, #tpu.memory_space<semaphore_mem>>
      %dma_wait3A_155 = tpu.memref_squeeze %dma_wait3A_154 : memref<1x!tpu.dma_semaphore, #tpu.memory_space<semaphore_mem>> -> memref<!tpu.dma_semaphore, #tpu.memory_space<semaphore_mem>>
      tpu.wait_indirect_dma semaphore(%dma_wait3A_155 : memref<!tpu.dma_semaphore, #tpu.memory_space<semaphore_mem>>) src(%dma_wait3A_153 : memref<1007616x32xf32, #tpu.memory_space<hbm>>) dst(%dma_wait3A_149 : memref<128x32xf32, #tpu.memory_space<vmem>>)
      %add3A_156 = arith.constant 2 : i32
      %add3A_157 = arith.addi %add3A_13, %add3A_156 : i32
      %mul3A_158 = arith.constant 128 : i32
      %mul3A_159 = arith.muli %add3A_157, %mul3A_158 : i32
      %add3A_160 = arith.addi %mul3A_2, %mul3A_159 : i32
      %dma_start3A_161 = arith.constant 2 : i32
      %dma_start3A_162 = arith.constant 2 : i32
      %dma_start3A_163 = arith.constant 0 : i32
      %dma_start3A_164 = arith.constant 0 : i32
      %dma_start3A_165 = tpu.memref_slice %arg6[%dma_start3A_161, %dma_start3A_163, %dma_start3A_164] : memref<4x128x32xf32, #tpu.memory_space<vmem>> -> memref<1x128x32xf32, #tpu.memory_space<vmem>>
      %dma_start3A_166 = tpu.memref_squeeze %dma_start3A_165 : memref<1x128x32xf32, #tpu.memory_space<vmem>> -> memref<128x32xf32, #tpu.memory_space<vmem>>
      %dma_start3A_167 = arith.constant 0 : i32
      %dma_start3A_168 = tpu.memref_slice %arg4[%add3A_160, %dma_start3A_167] : memref<409600x32xf32, #tpu.memory_space<hbm>> -> memref<128x32xf32, #tpu.memory_space<hbm>>
      %dma_start3A_169 = tpu.memref_slice %arg9[%dma_start3A_162] : memref<4x!tpu.dma_semaphore, #tpu.memory_space<semaphore_mem>> -> memref<1x!tpu.dma_semaphore, #tpu.memory_space<semaphore_mem>>
      %dma_start3A_170 = tpu.memref_squeeze %dma_start3A_169 : memref<1x!tpu.dma_semaphore, #tpu.memory_space<semaphore_mem>> -> memref<!tpu.dma_semaphore, #tpu.memory_space<semaphore_mem>>
      %dma_start3A_171 = arith.constant 0 : i32
      %dma_start3A_172 = tpu.memref_slice %arg4[%add3A_160, %dma_start3A_171] : memref<409600x32xf32, #tpu.memory_space<hbm>> -> memref<128x32xf32, #tpu.memory_space<hbm>>
      %dma_start3A_173 = arith.constant 0 : i32
      %dma_start3A_174 = arith.constant 0 : i32
      %dma_start3A_175 = tpu.memref_slice %arg6[%dma_start3A_161, %dma_start3A_173, %dma_start3A_174] : memref<4x128x32xf32, #tpu.memory_space<vmem>> -> memref<1x128x32xf32, #tpu.memory_space<vmem>>
      %dma_start3A_176 = tpu.memref_squeeze %dma_start3A_175 : memref<1x128x32xf32, #tpu.memory_space<vmem>> -> memref<128x32xf32, #tpu.memory_space<vmem>>
      tpu.enqueue_dma source(%dma_start3A_176 : memref<128x32xf32, #tpu.memory_space<vmem>>) target(%dma_start3A_172 : memref<128x32xf32, #tpu.memory_space<hbm>>) target_semaphore(%dma_start3A_170 : memref<!tpu.dma_semaphore, #tpu.memory_space<semaphore_mem>>)
      %dma_wait3A_177 = arith.constant 3 : i32
      %dma_wait3A_178 = arith.constant 3 : i32
      %dma_wait3A_179 = arith.constant 0 : i32
      %dma_wait3A_180 = arith.constant 0 : i32
      %dma_wait3A_181 = tpu.memref_slice %arg6[%dma_wait3A_177, %dma_wait3A_179, %dma_wait3A_180] : memref<4x128x32xf32, #tpu.memory_space<vmem>> -> memref<1x128x32xf32, #tpu.memory_space<vmem>>
      %dma_wait3A_182 = tpu.memref_squeeze %dma_wait3A_181 : memref<1x128x32xf32, #tpu.memory_space<vmem>> -> memref<128x32xf32, #tpu.memory_space<vmem>>
      %dma_wait3A_183 = tpu.memref_slice %arg5[%mul3A_65] : memref<12800xi32, #tpu.memory_space<vmem>> -> memref<128xi32, #tpu.memory_space<vmem>>
      %dma_wait3A_184 = arith.constant 0 : i32
      %dma_wait3A_185 = arith.constant 0 : i32
      %dma_wait3A_186 = tpu.memref_slice %arg3[%dma_wait3A_184, %dma_wait3A_185] : memref<1007616x32xf32, #tpu.memory_space<hbm>> -> memref<1007616x32xf32, #tpu.memory_space<hbm>>
      %dma_wait3A_187 = tpu.memref_slice %arg8[%dma_wait3A_178] : memref<4x!tpu.dma_semaphore, #tpu.memory_space<semaphore_mem>> -> memref<1x!tpu.dma_semaphore, #tpu.memory_space<semaphore_mem>>
      %dma_wait3A_188 = tpu.memref_squeeze %dma_wait3A_187 : memref<1x!tpu.dma_semaphore, #tpu.memory_space<semaphore_mem>> -> memref<!tpu.dma_semaphore, #tpu.memory_space<semaphore_mem>>
      tpu.wait_indirect_dma semaphore(%dma_wait3A_188 : memref<!tpu.dma_semaphore, #tpu.memory_space<semaphore_mem>>) src(%dma_wait3A_186 : memref<1007616x32xf32, #tpu.memory_space<hbm>>) dst(%dma_wait3A_182 : memref<128x32xf32, #tpu.memory_space<vmem>>)
      %add3A_189 = arith.constant 3 : i32
      %add3A_190 = arith.addi %add3A_13, %add3A_189 : i32
      %mul3A_191 = arith.constant 128 : i32
      %mul3A_192 = arith.muli %add3A_190, %mul3A_191 : i32
      %add3A_193 = arith.addi %mul3A_2, %mul3A_192 : i32
      %dma_start3A_194 = arith.constant 3 : i32
      %dma_start3A_195 = arith.constant 3 : i32
      %dma_start3A_196 = arith.constant 0 : i32
      %dma_start3A_197 = arith.constant 0 : i32
      %dma_start3A_198 = tpu.memref_slice %arg6[%dma_start3A_194, %dma_start3A_196, %dma_start3A_197] : memref<4x128x32xf32, #tpu.memory_space<vmem>> -> memref<1x128x32xf32, #tpu.memory_space<vmem>>
      %dma_start3A_199 = tpu.memref_squeeze %dma_start3A_198 : memref<1x128x32xf32, #tpu.memory_space<vmem>> -> memref<128x32xf32, #tpu.memory_space<vmem>>
      %dma_start3A_200 = arith.constant 0 : i32
      %dma_start3A_201 = tpu.memref_slice %arg4[%add3A_193, %dma_start3A_200] : memref<409600x32xf32, #tpu.memory_space<hbm>> -> memref<128x32xf32, #tpu.memory_space<hbm>>
      %dma_start3A_202 = tpu.memref_slice %arg9[%dma_start3A_195] : memref<4x!tpu.dma_semaphore, #tpu.memory_space<semaphore_mem>> -> memref<1x!tpu.dma_semaphore, #tpu.memory_space<semaphore_mem>>
      %dma_start3A_203 = tpu.memref_squeeze %dma_start3A_202 : memref<1x!tpu.dma_semaphore, #tpu.memory_space<semaphore_mem>> -> memref<!tpu.dma_semaphore, #tpu.memory_space<semaphore_mem>>
      %dma_start3A_204 = arith.constant 0 : i32
      %dma_start3A_205 = tpu.memref_slice %arg4[%add3A_193, %dma_start3A_204] : memref<409600x32xf32, #tpu.memory_space<hbm>> -> memref<128x32xf32, #tpu.memory_space<hbm>>
      %dma_start3A_206 = arith.constant 0 : i32
      %dma_start3A_207 = arith.constant 0 : i32
      %dma_start3A_208 = tpu.memref_slice %arg6[%dma_start3A_194, %dma_start3A_206, %dma_start3A_207] : memref<4x128x32xf32, #tpu.memory_space<vmem>> -> memref<1x128x32xf32, #tpu.memory_space<vmem>>
      %dma_start3A_209 = tpu.memref_squeeze %dma_start3A_208 : memref<1x128x32xf32, #tpu.memory_space<vmem>> -> memref<128x32xf32, #tpu.memory_space<vmem>>
      tpu.enqueue_dma source(%dma_start3A_209 : memref<128x32xf32, #tpu.memory_space<vmem>>) target(%dma_start3A_205 : memref<128x32xf32, #tpu.memory_space<hbm>>) target_semaphore(%dma_start3A_203 : memref<!tpu.dma_semaphore, #tpu.memory_space<semaphore_mem>>)
      %dma_wait3A_210 = arith.constant 0 : i32
      %dma_wait3A_211 = arith.constant 0 : i32
      %dma_wait3A_212 = arith.constant 0 : i32
      %dma_wait3A_213 = arith.constant 0 : i32
      %dma_wait3A_214 = tpu.memref_slice %arg6[%dma_wait3A_210, %dma_wait3A_212, %dma_wait3A_213] : memref<4x128x32xf32, #tpu.memory_space<vmem>> -> memref<1x128x32xf32, #tpu.memory_space<vmem>>
      %dma_wait3A_215 = tpu.memref_squeeze %dma_wait3A_214 : memref<1x128x32xf32, #tpu.memory_space<vmem>> -> memref<128x32xf32, #tpu.memory_space<vmem>>
      %dma_wait3A_216 = arith.constant 0 : i32
      %dma_wait3A_217 = tpu.memref_slice %arg4[%add3A_94, %dma_wait3A_216] : memref<409600x32xf32, #tpu.memory_space<hbm>> -> memref<128x32xf32, #tpu.memory_space<hbm>>
      %dma_wait3A_218 = tpu.memref_slice %arg9[%dma_wait3A_211] : memref<4x!tpu.dma_semaphore, #tpu.memory_space<semaphore_mem>> -> memref<1x!tpu.dma_semaphore, #tpu.memory_space<semaphore_mem>>
      %dma_wait3A_219 = tpu.memref_squeeze %dma_wait3A_218 : memref<1x!tpu.dma_semaphore, #tpu.memory_space<semaphore_mem>> -> memref<!tpu.dma_semaphore, #tpu.memory_space<semaphore_mem>>
      %dma_wait3A_220 = arith.constant 0 : i32
      %dma_wait3A_221 = tpu.memref_slice %arg4[%add3A_94, %dma_wait3A_220] : memref<409600x32xf32, #tpu.memory_space<hbm>> -> memref<128x32xf32, #tpu.memory_space<hbm>>
      %dma_wait3A_222 = arith.constant 0 : i32
      %dma_wait3A_223 = arith.constant 0 : i32
      %dma_wait3A_224 = tpu.memref_slice %arg6[%dma_wait3A_210, %dma_wait3A_222, %dma_wait3A_223] : memref<4x128x32xf32, #tpu.memory_space<vmem>> -> memref<1x128x32xf32, #tpu.memory_space<vmem>>
      %dma_wait3A_225 = tpu.memref_squeeze %dma_wait3A_224 : memref<1x128x32xf32, #tpu.memory_space<vmem>> -> memref<128x32xf32, #tpu.memory_space<vmem>>
      tpu.wait_dma2 semaphore(%dma_wait3A_219 : memref<!tpu.dma_semaphore, #tpu.memory_space<semaphore_mem>>) src(%dma_wait3A_225 : memref<128x32xf32, #tpu.memory_space<vmem>>) dst(%dma_wait3A_221 : memref<128x32xf32, #tpu.memory_space<hbm>>)
      %dma_wait3A_226 = arith.constant 1 : i32
      %dma_wait3A_227 = arith.constant 1 : i32
      %dma_wait3A_228 = arith.constant 0 : i32
      %dma_wait3A_229 = arith.constant 0 : i32
      %dma_wait3A_230 = tpu.memref_slice %arg6[%dma_wait3A_226, %dma_wait3A_228, %dma_wait3A_229] : memref<4x128x32xf32, #tpu.memory_space<vmem>> -> memref<1x128x32xf32, #tpu.memory_space<vmem>>
      %dma_wait3A_231 = tpu.memref_squeeze %dma_wait3A_230 : memref<1x128x32xf32, #tpu.memory_space<vmem>> -> memref<128x32xf32, #tpu.memory_space<vmem>>
      %dma_wait3A_232 = arith.constant 0 : i32
      %dma_wait3A_233 = tpu.memref_slice %arg4[%add3A_127, %dma_wait3A_232] : memref<409600x32xf32, #tpu.memory_space<hbm>> -> memref<128x32xf32, #tpu.memory_space<hbm>>
      %dma_wait3A_234 = tpu.memref_slice %arg9[%dma_wait3A_227] : memref<4x!tpu.dma_semaphore, #tpu.memory_space<semaphore_mem>> -> memref<1x!tpu.dma_semaphore, #tpu.memory_space<semaphore_mem>>
      %dma_wait3A_235 = tpu.memref_squeeze %dma_wait3A_234 : memref<1x!tpu.dma_semaphore, #tpu.memory_space<semaphore_mem>> -> memref<!tpu.dma_semaphore, #tpu.memory_space<semaphore_mem>>
      %dma_wait3A_236 = arith.constant 0 : i32
      %dma_wait3A_237 = tpu.memref_slice %arg4[%add3A_127, %dma_wait3A_236] : memref<409600x32xf32, #tpu.memory_space<hbm>> -> memref<128x32xf32, #tpu.memory_space<hbm>>
      %dma_wait3A_238 = arith.constant 0 : i32
      %dma_wait3A_239 = arith.constant 0 : i32
      %dma_wait3A_240 = tpu.memref_slice %arg6[%dma_wait3A_226, %dma_wait3A_238, %dma_wait3A_239] : memref<4x128x32xf32, #tpu.memory_space<vmem>> -> memref<1x128x32xf32, #tpu.memory_space<vmem>>
      %dma_wait3A_241 = tpu.memref_squeeze %dma_wait3A_240 : memref<1x128x32xf32, #tpu.memory_space<vmem>> -> memref<128x32xf32, #tpu.memory_space<vmem>>
      tpu.wait_dma2 semaphore(%dma_wait3A_235 : memref<!tpu.dma_semaphore, #tpu.memory_space<semaphore_mem>>) src(%dma_wait3A_241 : memref<128x32xf32, #tpu.memory_space<vmem>>) dst(%dma_wait3A_237 : memref<128x32xf32, #tpu.memory_space<hbm>>)
      %dma_wait3A_242 = arith.constant 2 : i32
      %dma_wait3A_243 = arith.constant 2 : i32
      %dma_wait3A_244 = arith.constant 0 : i32
      %dma_wait3A_245 = arith.constant 0 : i32
      %dma_wait3A_246 = tpu.memref_slice %arg6[%dma_wait3A_242, %dma_wait3A_244, %dma_wait3A_245] : memref<4x128x32xf32, #tpu.memory_space<vmem>> -> memref<1x128x32xf32, #tpu.memory_space<vmem>>
      %dma_wait3A_247 = tpu.memref_squeeze %dma_wait3A_246 : memref<1x128x32xf32, #tpu.memory_space<vmem>> -> memref<128x32xf32, #tpu.memory_space<vmem>>
      %dma_wait3A_248 = arith.constant 0 : i32
      %dma_wait3A_249 = tpu.memref_slice %arg4[%add3A_160, %dma_wait3A_248] : memref<409600x32xf32, #tpu.memory_space<hbm>> -> memref<128x32xf32, #tpu.memory_space<hbm>>
      %dma_wait3A_250 = tpu.memref_slice %arg9[%dma_wait3A_243] : memref<4x!tpu.dma_semaphore, #tpu.memory_space<semaphore_mem>> -> memref<1x!tpu.dma_semaphore, #tpu.memory_space<semaphore_mem>>
      %dma_wait3A_251 = tpu.memref_squeeze %dma_wait3A_250 : memref<1x!tpu.dma_semaphore, #tpu.memory_space<semaphore_mem>> -> memref<!tpu.dma_semaphore, #tpu.memory_space<semaphore_mem>>
      %dma_wait3A_252 = arith.constant 0 : i32
      %dma_wait3A_253 = tpu.memref_slice %arg4[%add3A_160, %dma_wait3A_252] : memref<409600x32xf32, #tpu.memory_space<hbm>> -> memref<128x32xf32, #tpu.memory_space<hbm>>
      %dma_wait3A_254 = arith.constant 0 : i32
      %dma_wait3A_255 = arith.constant 0 : i32
      %dma_wait3A_256 = tpu.memref_slice %arg6[%dma_wait3A_242, %dma_wait3A_254, %dma_wait3A_255] : memref<4x128x32xf32, #tpu.memory_space<vmem>> -> memref<1x128x32xf32, #tpu.memory_space<vmem>>
      %dma_wait3A_257 = tpu.memref_squeeze %dma_wait3A_256 : memref<1x128x32xf32, #tpu.memory_space<vmem>> -> memref<128x32xf32, #tpu.memory_space<vmem>>
      tpu.wait_dma2 semaphore(%dma_wait3A_251 : memref<!tpu.dma_semaphore, #tpu.memory_space<semaphore_mem>>) src(%dma_wait3A_257 : memref<128x32xf32, #tpu.memory_space<vmem>>) dst(%dma_wait3A_253 : memref<128x32xf32, #tpu.memory_space<hbm>>)
      %dma_wait3A_258 = arith.constant 3 : i32
      %dma_wait3A_259 = arith.constant 3 : i32
      %dma_wait3A_260 = arith.constant 0 : i32
      %dma_wait3A_261 = arith.constant 0 : i32
      %dma_wait3A_262 = tpu.memref_slice %arg6[%dma_wait3A_258, %dma_wait3A_260, %dma_wait3A_261] : memref<4x128x32xf32, #tpu.memory_space<vmem>> -> memref<1x128x32xf32, #tpu.memory_space<vmem>>
      %dma_wait3A_263 = tpu.memref_squeeze %dma_wait3A_262 : memref<1x128x32xf32, #tpu.memory_space<vmem>> -> memref<128x32xf32, #tpu.memory_space<vmem>>
      %dma_wait3A_264 = arith.constant 0 : i32
      %dma_wait3A_265 = tpu.memref_slice %arg4[%add3A_193, %dma_wait3A_264] : memref<409600x32xf32, #tpu.memory_space<hbm>> -> memref<128x32xf32, #tpu.memory_space<hbm>>
      %dma_wait3A_266 = tpu.memref_slice %arg9[%dma_wait3A_259] : memref<4x!tpu.dma_semaphore, #tpu.memory_space<semaphore_mem>> -> memref<1x!tpu.dma_semaphore, #tpu.memory_space<semaphore_mem>>
      %dma_wait3A_267 = tpu.memref_squeeze %dma_wait3A_266 : memref<1x!tpu.dma_semaphore, #tpu.memory_space<semaphore_mem>> -> memref<!tpu.dma_semaphore, #tpu.memory_space<semaphore_mem>>
      %dma_wait3A_268 = arith.constant 0 : i32
      %dma_wait3A_269 = tpu.memref_slice %arg4[%add3A_193, %dma_wait3A_268] : memref<409600x32xf32, #tpu.memory_space<hbm>> -> memref<128x32xf32, #tpu.memory_space<hbm>>
      %dma_wait3A_270 = arith.constant 0 : i32
      %dma_wait3A_271 = arith.constant 0 : i32
      %dma_wait3A_272 = tpu.memref_slice %arg6[%dma_wait3A_258, %dma_wait3A_270, %dma_wait3A_271] : memref<4x128x32xf32, #tpu.memory_space<vmem>> -> memref<1x128x32xf32, #tpu.memory_space<vmem>>
      %dma_wait3A_273 = tpu.memref_squeeze %dma_wait3A_272 : memref<1x128x32xf32, #tpu.memory_space<vmem>> -> memref<128x32xf32, #tpu.memory_space<vmem>>
      tpu.wait_dma2 semaphore(%dma_wait3A_267 : memref<!tpu.dma_semaphore, #tpu.memory_space<semaphore_mem>>) src(%dma_wait3A_273 : memref<128x32xf32, #tpu.memory_space<vmem>>) dst(%dma_wait3A_269 : memref<128x32xf32, #tpu.memory_space<hbm>>)
    }
    %scan3A_8 = arith.constant 25 : i32
    return
  }
}

module attributes {stable_mosaic.version = 14 : i64} {
  func.func @_tp_body(%arg0: i32, %arg1: memref<32x8192xf32, #tpu.memory_space<vmem>>, %arg2: memref<2048x128xf32, #tpu.memory_space<vmem>>) attributes {dimension_semantics = [#tpu.dimension_semantics<arbitrary>], iteration_bounds = array<i64: 123>, scalar_prefetch = 0 : i64, scratch_operands = 0 : i64, tpu.core_type = #tpu.core_type<tc>, window_params = [{transform_indices = @transform_0, window_bounds = array<i64: 32, 8192>}, {transform_indices = @transform_1, window_bounds = array<i64: 2048, 128>}]} {
    %get3A = arith.constant 0 : index
    %get3A_0 = arith.constant 0 : index
    %get3A_1 = vector.load %arg1[%get3A, %get3A_0] : memref<32x8192xf32, #tpu.memory_space<vmem>>, vector<32x2048xf32>
    %transpose3A = tpu.transpose %get3A_1, [1, 0] : vector<32x2048xf32> -> vector<2048x32xf32>
    %swap3A = arith.constant 0 : index
    %swap3A_2 = arith.constant 0 : index
    %swap3A_3 = vector.load %arg2[%swap3A, %swap3A_2] : memref<2048x128xf32, #tpu.memory_space<vmem>>, vector<2048x32xf32>
    tpu.vector_store %arg2[%swap3A, %swap3A_2], %transpose3A {strides = array<i32>} : memref<2048x128xf32, #tpu.memory_space<vmem>>, vector<2048x32xf32>,
    %get3A_4 = arith.constant 0 : index
    %get3A_5 = arith.constant 2048 : index
    %get3A_6 = vector.load %arg1[%get3A_4, %get3A_5] : memref<32x8192xf32, #tpu.memory_space<vmem>>, vector<32x2048xf32>
    %transpose3A_7 = tpu.transpose %get3A_6, [1, 0] : vector<32x2048xf32> -> vector<2048x32xf32>
    %swap3A_8 = arith.constant 0 : index
    %swap3A_9 = arith.constant 32 : index
    %swap3A_10 = vector.load %arg2[%swap3A_8, %swap3A_9] : memref<2048x128xf32, #tpu.memory_space<vmem>>, vector<2048x32xf32>
    tpu.vector_store %arg2[%swap3A_8, %swap3A_9], %transpose3A_7 {strides = array<i32>} : memref<2048x128xf32, #tpu.memory_space<vmem>>, vector<2048x32xf32>,
    %get3A_11 = arith.constant 0 : index
    %get3A_12 = arith.constant 4096 : index
    %get3A_13 = vector.load %arg1[%get3A_11, %get3A_12] : memref<32x8192xf32, #tpu.memory_space<vmem>>, vector<32x2048xf32>
    %transpose3A_14 = tpu.transpose %get3A_13, [1, 0] : vector<32x2048xf32> -> vector<2048x32xf32>
    %swap3A_15 = arith.constant 0 : index
    %swap3A_16 = arith.constant 64 : index
    %swap3A_17 = vector.load %arg2[%swap3A_15, %swap3A_16] : memref<2048x128xf32, #tpu.memory_space<vmem>>, vector<2048x32xf32>
    tpu.vector_store %arg2[%swap3A_15, %swap3A_16], %transpose3A_14 {strides = array<i32>} : memref<2048x128xf32, #tpu.memory_space<vmem>>, vector<2048x32xf32>,
    %get3A_18 = arith.constant 0 : index
    %get3A_19 = arith.constant 6144 : index
    %get3A_20 = vector.load %arg1[%get3A_18, %get3A_19] : memref<32x8192xf32, #tpu.memory_space<vmem>>, vector<32x2048xf32>
    %transpose3A_21 = tpu.transpose %get3A_20, [1, 0] : vector<32x2048xf32> -> vector<2048x32xf32>
    %swap3A_22 = arith.constant 0 : index
    %swap3A_23 = arith.constant 96 : index
    %swap3A_24 = vector.load %arg2[%swap3A_22, %swap3A_23] : memref<2048x128xf32, #tpu.memory_space<vmem>>, vector<2048x32xf32>
    tpu.vector_store %arg2[%swap3A_22, %swap3A_23], %transpose3A_21 {strides = array<i32>} : memref<2048x128xf32, #tpu.memory_space<vmem>>, vector<2048x32xf32>,
    return
  }
  func.func @transform_0(%arg0: i32) -> (i32, i32) {
    %c0_i32 = arith.constant 0 : i32
    %c0_i32_0 = arith.constant 0 : i32
    return %c0_i32, %arg0 : i32, i32
  }
  func.func @transform_1(%arg0: i32) -> (i32, i32) {
    %c0_i32 = arith.constant 0 : i32
    %c0_i32_0 = arith.constant 0 : i32
    return %arg0, %c0_i32 : i32, i32
  }
}

module attributes {stable_mosaic.version = 14 : i64} {
  func.func @_mm_body(%arg0: i32, %arg1: memref<1024x1600xf32, #tpu.memory_space<vmem>>, %arg2: memref<1600x3xf32, #tpu.memory_space<vmem>>, %arg3: memref<1x3xf32, #tpu.memory_space<vmem>>, %arg4: memref<1024x3xf32, #tpu.memory_space<vmem>>) attributes {dimension_semantics = [#tpu.dimension_semantics<arbitrary>], iteration_bounds = array<i64: 8>, scalar_prefetch = 0 : i64, scratch_operands = 0 : i64, tpu.core_type = #tpu.core_type<tc>, window_params = [{transform_indices = @transform_0, window_bounds = array<i64: 1024, 1600>}, {pipeline_mode = #tpu.pipeline_mode<synchronous>, transform_indices = @transform_1, window_bounds = array<i64: 1600, 3>}, {pipeline_mode = #tpu.pipeline_mode<synchronous>, transform_indices = @transform_2, window_bounds = array<i64: 1, 3>}, {transform_indices = @transform_3, window_bounds = array<i64: 1024, 3>}]} {
    %get3A = arith.constant 0 : index
    %get3A_0 = arith.constant 0 : index
    %get3A_1 = vector.load %arg1[%get3A, %get3A_0] : memref<1024x1600xf32, #tpu.memory_space<vmem>>, vector<1024x1600xf32>
    %get3A_2 = arith.constant 0 : index
    %get3A_3 = arith.constant 0 : index
    %get3A_4 = vector.load %arg2[%get3A_2, %get3A_3] : memref<1600x3xf32, #tpu.memory_space<vmem>>, vector<1600x3xf32>
    %dot_general3A = arith.constant dense<0.000000e+00> : vector<1024x3xf32>
    %dot_general3A_5 = tpu.matmul %get3A_1, %get3A_4, %dot_general3A {dimension_numbers = #tpu.dot_dimension_numbers<[1], [0], [0], [1], [0, 0, 1, 1], [], []>, transpose_lhs_hint = false} : vector<1024x1600xf32>, vector<1600x3xf32>, vector<1024x3xf32> -> vector<1024x3xf32>
    %get3A_6 = arith.constant 0 : index
    %get3A_7 = arith.constant 0 : index
    %get3A_8 = vector.load %arg3[%get3A_6, %get3A_7] : memref<1x3xf32, #tpu.memory_space<vmem>>, vector<1x3xf32>
    %add3A = vector.broadcast %get3A_8 : vector<1x3xf32> to vector<1024x3xf32>
    %add3A_9 = arith.addf %dot_general3A_5, %add3A : vector<1024x3xf32>
    %reduce_max3A = arith.constant dense<0xFF800000> : vector<1024xf32>
    %reduce_max3A_10 = vector.multi_reduction <maximumf>, %add3A_9, %reduce_max3A [1] : vector<1024x3xf32> to vector<1024xf32>
    %broadcast_in_dim3A = vector.shape_cast %reduce_max3A_10 : vector<1024xf32> to vector<1024x1xf32>
    %sub3A = vector.broadcast %broadcast_in_dim3A : vector<1024x1xf32> to vector<1024x3xf32>
    %sub3A_11 = arith.subf %add3A_9, %sub3A : vector<1024x3xf32>
    %exp3A = math.exp %sub3A_11 : vector<1024x3xf32>
    %reduce_sum3A = arith.constant dense<0.000000e+00> : vector<1024xf32>
    %reduce_sum3A_12 = vector.multi_reduction <add>, %exp3A, %reduce_sum3A [1] : vector<1024x3xf32> to vector<1024xf32>
    %broadcast_in_dim3A_13 = vector.shape_cast %reduce_sum3A_12 : vector<1024xf32> to vector<1024x1xf32>
    %log3A = math.log %broadcast_in_dim3A_13 : vector<1024x1xf32>
    %sub3A_14 = vector.broadcast %log3A : vector<1024x1xf32> to vector<1024x3xf32>
    %sub3A_15 = arith.subf %sub3A_11, %sub3A_14 : vector<1024x3xf32>
    %swap3A = arith.constant 0 : index
    %swap3A_16 = arith.constant 0 : index
    %swap3A_17 = vector.load %arg4[%swap3A, %swap3A_16] : memref<1024x3xf32, #tpu.memory_space<vmem>>, vector<1024x3xf32>
    tpu.vector_store %arg4[%swap3A, %swap3A_16], %sub3A_15 {strides = array<i32>} : memref<1024x3xf32, #tpu.memory_space<vmem>>, vector<1024x3xf32>,
    return
  }
  func.func @transform_0(%arg0: i32) -> (i32, i32) {
    %c0_i32 = arith.constant 0 : i32
    %c0_i32_0 = arith.constant 0 : i32
    return %arg0, %c0_i32 : i32, i32
  }
  func.func @transform_1(%arg0: i32) -> (i32, i32) {
    %c0_i32 = arith.constant 0 : i32
    %c0_i32_0 = arith.constant 0 : i32
    %c0_i32_1 = arith.constant 0 : i32
    return %c0_i32, %c0_i32_0 : i32, i32
  }
  func.func @transform_2(%arg0: i32) -> (i32, i32) {
    %c0_i32 = arith.constant 0 : i32
    %c0_i32_0 = arith.constant 0 : i32
    %c0_i32_1 = arith.constant 0 : i32
    return %c0_i32, %c0_i32_0 : i32, i32
  }
  func.func @transform_3(%arg0: i32) -> (i32, i32) {
    %c0_i32 = arith.constant 0 : i32
    %c0_i32_0 = arith.constant 0 : i32
    return %arg0, %c0_i32 : i32, i32
  }
}

</mosaic_0001>

<sc_bundles>
// kernel: kernel.10.cloned.1.call-start
scs
__scs_entry_jumppad:
0x0: {  	(pc) =	sbr.rel $0x88, $3  }
0x1: {  	(tag) =	ssettag $0x0;
	lr =	simm.s32 $0x1  }
0x2: {  	[smem:$0x3F9D] =	sst lr;
	_ =	strace $0xD0000000  }
0x3: {  	_ = 	snop  }
0x4: {  	_ = 	snop  }
0x5: {  	_ = 	snop  }
0x6: {  	_ = 	snop  }
0x7: {  	_ = 	snop  }
__scs_overlays_trampoline_lowered:
0x8: {  	[smem:$0x3FAC] =	sst s0  }
0x9: {  	[smem:$0x3FAD] =	sst s1  }
0xa: {  	[smem:$0x3FAE] =	sst s2  }
0xb: {  	[smem:$0x3FAF] =	sst s3  }
0xc: {  	[smem:$0x3FB0] =	sst s4  }
0xd: {  	[smem:$0x3FB1] =	sst s5  }
0xe: {  	[smem:$0x3FB2] =	sst s6  }
0xf: {  	[smem:$0x3FB3] =	sst s7  }
0x10: {  	[smem:$0x3FB4] =	sst s8  }
0x11: {  	[smem:$0x3FB5] =	sst s9;
	s0 =	simm.s32 @!p0 $0x0  }
0x12: {  	s1 =	sld [smem:$0x3F9B];
	s0 =	simm.s32 @p0 $0x1  }
0x13: {  	[smem:$0x3FB6] =	sst s0;
	s0 =	simm.s32 @!p1 $0x0  }
0x14: {  	s2 =	sld [smem:$0x3F9A];
	s0 =	simm.s32 @p1 $0x1  }
0x15: {  	[smem:$0x3FB7] =	sst s0;
	s0 =	simm.s32 @!p2 $0x0  }
0x16: {  	s3 =	sld [smem:$0x3FDB];
	s0 =	simm.s32 @p2 $0x1  }
0x17: {  	s4 =	simm.s32 $0x1BF5;
	[smem:$0x3FB9] =	sst s0  }
0x18: {  	s0 =	sld [smem:$0x3F9C];
	_ =	swait.ge [sflag:s4], $0x0  }
0x19: {  	s7 =	sld [smem:$0x3F9D]  }
0x1a: {  	s8 =	sadd.s32 $0xFFFFE003, lr  }
0x1b: {  	s9 =	sadd.s32 $0xFFFFFEF7, lr;
	s5 =	simm.s32 $0xFFFFFFFF;
	p2 =	slt.u32 s8, $0xFFFFF086  }
0x1c: {  	p1 =	slt.u32 s9, $0xF7A;
	s5 =	simm.s32 @!p2 $0x0  }
0x1d: {  	s5 =	simm.s32 @p1 $0x1;
	p0 =	seq.s32 s7, s2  }
0x1e: {  	s7 =	smul.u32 @!p0 $0xF7A, s2;
	p2 =	seq.s32 @!p0 s5, $0x0  }
0x1f: {  	s9 =	smul.u32 $0xF7A, s1;
	s8 =	simm.s32 @!p0 $0x1BF5;
	p2 =	por !p2, p0  }
0x20: {  	[sflag:s8] =	ssyncset.s32 @!p0 $0xFFFFF086;
	s6 =	sadd.s32 @!p0 s3, s7;
	s7 =	simm.s32 @!p0 $0x108  }
0x21: {  	s3 =	sadd.s32 s3, s9;
	s6 =	sadd.s32 @!p0 $0x88, s6;
	s7 =	simm.s32 @p2 $0x1082  }
0x22: {  	[simem:s7], [sflag:s8] =	dma.local @!p0 [hbm:s6], $0xF7A  }
0x23: {  	s9 =	sor.u32 $0xD0000000, s2;
	s6 =	simm.s32 $0x108;
	_ =	swait.ge @!p0 [sflag:s8], $0x0  }
0x24: {  	s3 =	sadd.s32 $0x88, s3;
	s6 =	simm.s32 @!p1 $0x1082;
	[sflag:s4] =	ssyncset.s32 $0xFFFFF086  }
0x25: {  	[simem:s6], [sflag:s4] =	dma.local [hbm:s3], $0xF7A  }
0x26: {  	[smem:$0x3F9D] =	sst s1;
	(tag) =	ssettag s2;
	_ =	strace s9  }
0x27: {  	s1 =	sld [smem:$0x3FAD]  }
0x28: {  	s2 =	sld [smem:$0x3FAE]  }
0x29: {  	s4 =	sld [smem:$0x3FB0]  }
0x2a: {  	p0 =	seq.s32 s5, $0x0;
	s5 =	sld [smem:$0x3FB1]  }
0x2b: {  	s6 =	sld [smem:$0x3FB2]  }
0x2c: {  	s7 =	sld [smem:$0x3FB3]  }
0x2d: {  	s3 =	simm.s32 $0x108;
	s8 =	sld [smem:$0x3FB4]  }
0x2e: {  	s3 =	simm.s32 @!p0 $0x1082;
	s9 =	sld [smem:$0x3FB5]  }
0x2f: {  	lr =	sadd.s32 s0, s3;
	s0 =	sld [smem:$0x3FAC]  }
0x30: {  	s3 =	sld [smem:$0x3FAF]  }
0x31: {  	[smem:$0x3FB8] =	sst s10  }
0x32: {  	s10 =	sld [smem:$0x3FB6];
	_ =	sdelay $0x3  }
0x33: {  	p0 =	seq.s32 s10, $0x1;
	s10 =	sld [smem:$0x3FB8];
	_ =	sdelay $0x3  }
0x34: {  	[smem:$0x3FB8] =	sst s10  }
0x35: {  	s10 =	sld [smem:$0x3FB7];
	_ =	sdelay $0x3  }
0x36: {  	p1 =	seq.s32 s10, $0x1;
	s10 =	sld [smem:$0x3FB8];
	_ =	sdelay $0x3  }
0x37: {  	[smem:$0x3FB8] =	sst s10  }
0x38: {  	s10 =	sld [smem:$0x3FB9]  }
0x39: {  	_ = 	snop;
	(pc) =	sbr.ind lr, $3  }
0x3a: {  	_ = 	snop  }
0x3b: {  	_ = 	snop  }
0x3c: {  	p2 =	seq.s32 s10, $0x1;
	s10 =	sld [smem:$0x3FB8]  }
0x3d: {  	_ =	shalt  }
0x3e: {  	_ =	shalt  }
0x3f: {  	_ =	shalt  }
0x40: {  	_ =	shalt  }
0x41: {  	_ =	shalt  }
0x42: {  	_ =	shalt  }
0x43: {  	_ =	shalt  }
0x44: {  	_ =	shalt  }
0x45: {  	_ =	shalt  }
0x46: {  	_ =	shalt  }
0x47: {  	_ =	shalt  }
0x48: {  	_ =	shalt  }
0x49: {  	_ =	shalt  }
0x4a: {  	_ =	shalt  }
0x4b: {  	_ =	shalt  }
0x4c: {  	_ =	shalt  }
0x4d: {  	_ =	shalt  }
0x4e: {  	_ =	shalt  }
0x4f: {  	_ =	shalt  }
0x50: {  	_ =	shalt  }
0x51: {  	_ =	shalt  }
0x52: {  	_ =	shalt  }
0x53: {  	_ =	shalt  }
0x54: {  	_ =	shalt  }
0x55: {  	_ =	shalt  }
0x56: {  	_ =	shalt  }
0x57: {  	_ =	shalt  }
0x58: {  	_ =	shalt  }
0x59: {  	_ =	shalt  }
0x5a: {  	_ =	shalt  }
0x5b: {  	_ =	shalt  }
0x5c: {  	_ =	shalt  }
0x5d: {  	_ =	shalt  }
0x5e: {  	_ =	shalt  }
0x5f: {  	_ =	shalt  }
0x60: {  	_ =	shalt  }
0x61: {  	_ =	shalt  }
0x62: {  	_ =	shalt  }
0x63: {  	_ =	shalt  }
0x64: {  	_ =	shalt  }
0x65: {  	_ =	shalt  }
0x66: {  	_ =	shalt  }
0x67: {  	_ =	shalt  }
0x68: {  	_ =	shalt  }
0x69: {  	_ =	shalt  }
0x6a: {  	_ =	shalt  }
0x6b: {  	_ =	shalt  }
0x6c: {  	_ =	shalt  }
0x6d: {  	_ =	shalt  }
0x6e: {  	_ =	shalt  }
0x6f: {  	_ =	shalt  }
0x70: {  	_ =	shalt  }
0x71: {  	_ =	shalt  }
0x72: {  	_ =	shalt  }
0x73: {  	_ =	shalt  }
0x74: {  	_ =	shalt  }
0x75: {  	_ =	shalt  }
0x76: {  	_ =	shalt  }
0x77: {  	_ =	shalt  }
0x78: {  	_ =	shalt  }
0x79: {  	_ =	shalt  }
0x7a: {  	_ =	shalt  }
0x7b: {  	_ =	shalt  }
0x7c: {  	_ =	shalt  }
0x7d: {  	_ =	shalt  }
0x7e: {  	_ =	shalt  }
0x7f: {  	_ =	shalt  }
0x80: {  	_ =	shalt  }
0x81: {  	_ =	shalt  }
0x82: {  	_ =	shalt  }
0x83: {  	_ =	shalt  }
0x84: {  	_ =	shalt  }
0x85: {  	_ =	shalt  }
0x86: {  	_ =	shalt  }
0x87: {  	_ =	shalt  }
.Lfunc_end0:
.L_simem_size_0:
called_computation.1_lowered:
.L_overlay_start_0:
0x88: {  	s2 =	sld [smem:$0x3FD9]  }
0x89: {  	s3 =	sld [smem:$0x3FFE];
	_ =	sdelay $0x1  }
0x8a: {  	s1 =	srdreg.scid  }
0x8b: {  	s0 =	sand.u32 $0x1, s1  }
0x8c: {  	s16 =	sshll.u32 s0, $0xA;
	s2 =	sadd.s32 s3, s2  }
0x8d: {  	s2 =	sadd.s32 s2, s16  }
0x8e: {  	[smem:$0x3FC4] =	sst s2  }
0x8f: {  	_ = 	snop  }
0x90: {  	(tm) =	ssettm $0x1  }
0x91: {  	s17 =	sld [smem:$0x3FFB];
	_ =	sdelay $0x3  }
0x92: {  	_ =	strace s17  }
0x93: {  	s2 =	sld [smem:$0x3FFC];
	_ =	sdelay $0x3  }
0x94: {  	_ =	strace s2  }
0x95: {  	s2 =	sld [smem:$0x3FFD];
	_ =	sdelay $0x3  }
0x96: {  	_ =	strace s2  }
0x97: {  	_ =	strace $0x8FFFFFFF  }
0x98: {  	s18 =	sld [smem:$0x3FDB];
	_ =	sdelay $0x1  }
0x99: {  	s19 =	simm.s32 $_scs_section_size  }
0x9a: {  	s4 =	simm.s32 $_size__tile_overlayer_lowered;
	s5 =	simm.s32 $_tile_overlayer_lowered  }
0x9b: {  	s22 =	simm.s32 $0x1BFF;
	s21 =	sshll.u32 s5, $0x1;
	s2 =	sadd.s32 s19, s18  }
0x9c: {  	s6 =	simm.s32 $0x0;
	s20 =	sshll.u32 s4, $0x1;
	s4 =	sadd.s32 s21, s2  }
0x9d: {  	[timem:s6], [sflag:s22] =	dma.local [hbm:s4], s20  }
0x9e: {  	_ =	swait.ge [sflag:s22], s20  }
0x9f: {  	s3 =	ssub.s32 $0x0, s20;
	[sflag:s22] =	ssyncset.done $0x0  }
0xa0: {  	[sflag:s22] =	ssyncadd.s32 s3;
	_ =	sdelay $0x1  }
0xa1: {  	s23 =	simm.s32 $0x1B8B  }
0xa2: {  	_ =	swait.ge [sflag:s23], $0x1  }
0xa3: {  	[sflag:s23] =	ssyncset.done $0x0  }
0xa4: {  	s25 =	simm.s32 $0x1B8E;
	s24 =	sld [smem:$0x3FFE];
	[sflag:s23] =	ssyncadd.s32 $0xFFFFFFFF  }
0xa5: {  	s26 =	simm.s32 $execute0_lowered;
	[smem:$0x3FD2] =	sst s25  }
0xa6: {  	s4 =	sshll.u32 s26, $0x1;
	_ =	strace $0x80000046;
	[dreg:$0x1] =	wrdreg $0xFFFFFFFF  }
0xa7: {  	s28 =	simm.s32 $_size_execute0_lowered;
	s2 =	sadd.s32 s2, s4;
	[dreg:$0x0] =	wrdreg $0x0  }
0xa8: {  	s4 =	sshll.u32 s28, $0x1;
	[dreg:$0x2] =	wrdreg s2  }
0xa9: {  	[dreg:$0x3] =	wrdreg s4  }
0xaa: {  	[dreg:$0x4] =	wrdreg $0xC0  }
0xab: {  	_ =	task [dreg:s6], $0x5FFFF  }
0xac: {  	[dreg:$0x1] =	wrdreg $0xFFFFFFFF  }
0xad: {  	[dreg:$0x0] =	wrdreg $0x60  }
0xae: {  	[dreg:$0x2] =	wrdreg s24  }
0xaf: {  	[dreg:$0x3] =	wrdreg $0xA  }
0xb0: {  	_ =	task.clear_ibuf [dreg:s6], $0x4FFFF;
	_ =	strace $0x90000046  }
0xb1: {  	s29 =	simm.s32 $0xA;
	_ =	strace $0x80000048  }
0xb2: {  	_ =	swait.ge [sflag:s29], $0x1  }
0xb3: {  	[sflag:s29] =	ssyncadd.s32 $0xFFFFFFFF  }
0xb4: {  	_ =	strace $0x90000048  }
0xb5: {  	_ =	sfence  }
0xb6: {  	s30 =	sld [smem:$0x0];
	_ =	sdelay $0x2  }
0xb7: {  	s31 =	sshll.u32 s1, $0xD;
	s1 =	sshrl.u32 s1, $0x2  }
0xb8: {  	s3 =	sand.u32 $0x4000, s31;
	s1 =	sadd.s32 s1, s30  }
0xb9: {  	s0 =	sor.u32 s3, s0;
	s1 =	sshll.u32 s1, $0x11  }
0xba: {  	s0 =	sor.u32 s1, s0  }
0xbb: {  	s0 =	sadd.s32 $0x8F2B, s0  }
0xbc: {  	[sflag:s0] =	ssyncadd.remote.s32 $0x1  }
0xbd: {  	_ =	sfence.sel $0xFFFF  }
0xbe: {  	[dreg:$0x0] =	wrdreg $0xFFFFFFFF;
	(pc) =	sbr.abs _section_cstart, $3  }
0xbf: {  	[dreg:$0x1] =	wrdreg $0xFFFFFFFF  }
0xc0: {  	_ =	task.clear_ibuf [dreg:s6], $0x2FFFF;
	_ =	strace $0x9FFFFFFF  }
0xc1: {  	(tm) =	ssettm $0x7FFFFFFF  }
tec
execute0_lowered:
.L_overlay_start_1:
0x0: {  	(tag) =	ssettag $0x1  }
0x1: {  	s1 =	srdreg.scid;
	s0 =	stileid.u32  }
0x2: {  	s4 =	rddreg [dreg:$0x0];
	s2 =	simm.s32 $0x0;
	s12 =	simm.s32 $0x3200  }
0x3: {  	s13 =	simm.s32 $0x4200;
	s14 =	simm.s32 $0x5200;
	s15 =	simm.s32 $0x6200  }
0x4: {  	s16 =	simm.s32 $0x2;
	s17 =	simm.s32 $0x3;
	s18 =	simm.s32 $0x4  }
0x5: {  	s19 =	simm.s32 $0x5;
	s20 =	simm.s32 $0x6;
	s21 =	simm.s32 $0x7  }
0x6: {  	s22 =	simm.s32 $0x8;
	s23 =	simm.s32 $0x9;
	s24 =	simm.s32 $0x0  }
0x7: {  	s5 =	sand.u32 $0x1, s1;
	s1 =	rddreg [dreg:$0x1];
	s6 =	smul.u32 $0x6400, s0  }
0x8: {  	s26 =	sshll.u32 s0, $0x1;
	[smem:$0x7FF] =	sst s2;
	s30 =	smul.u32 $0x19000, s0  }
0x9: {  	s10 =	sadd.s32 $0x401A00, s4;
	s3 =	sor.u32 s5, s26;
	s7 =	smul.u32 $0x3200, s5  }
0xa: {  	_ =	strace $0x80000047;
	s9 =	ssub.s32 $0x2, s5;
	s3 =	smul.u32 $0x3200, s3  }
0xb: {  	s31 =	smul.u32 $0xC800, s5;
	s28 =	sshrl.u32 s9, $0x1;
	s6 =	sadd.s32 s7, s6  }
0xc: {  	s29 =	ssub.s32 s9, s28;
	s9 =	sadd.s32 s30, s10;
	s3 =	sshrl.u32 s3, $0x3  }
0xd: {  	s6 =	sshll.u32 s6, $0x2;
	s5 =	smax.u32 s29, $0x1;
	s8 =	sadd.s32 s3, s4  }
0xe: {  	s3 =	sadd.s32 $0x29A00, s4;
	s11 =	sadd.s32 s6, s10;
	s10 =	simm.s32 $0x1  }
0xf: {  	s4 =	sadd.s32 $0x1D200, s8;
	s6 =	sadd.s32 $0x400, s11;
	s7 =	sadd.s32 $0x200, s11  }
0x10: {  	s8 =	sadd.s32 s31, s9;
	s9 =	sadd.s32 $0x600, s11;
	s11 =	simm.s32 $0x80  }
.LBB2_1:
0x11: {  	[tilespmem:s2], [sflag:$0x1] =	stream.linear.gather [hbm4b:s4+s2], $0x3200, $0x38;
	[tilespmem:$0x7200] =	vst v63  }
0x12: {  	_ =	swait.ge [sflag:s10], $0x3200  }
0x13: {  	[sflag:s10] =	ssyncset.done $0x0  }
0x14: {  	s25 =	simm.s32 $0x0;
	[sflag:s10] =	ssyncadd.s32 $0xFFFFCE00  }
0x15: {  	[tilespmem:s12], [sflag:$0x2] =	stream.indirect.gather [hbm4b:s3+s11], $0x20, s25, s11, $0xb8;
	[tilespmem:$0x7200] =	vst v63  }
0x16: {  	s29 =	simm.s32 $0x80  }
0x17: {  	[tilespmem:s13], [sflag:$0x3] =	stream.indirect.gather [hbm4b:s3+s11], $0x20, s29, s11, $0xb8;
	[tilespmem:$0x7200] =	vst v63  }
0x18: {  	s30 =	simm.s32 $0x100  }
0x19: {  	[tilespmem:s14], [sflag:$0x4] =	stream.indirect.gather [hbm4b:s3+s11], $0x20, s30, s11, $0xb8;
	[tilespmem:$0x7200] =	vst v63  }
0x1a: {  	s31 =	simm.s32 $0x180  }
0x1b: {  	[tilespmem:s15], [sflag:$0x5] =	stream.indirect.gather [hbm4b:s3+s11], $0x20, s31, s11, $0xb8;
	[tilespmem:$0x7200] =	vst v63  }
0x1c: {  	_ =	swait.ge [sflag:s16], $0x1000  }
0x1d: {  	[sflag:s16] =	ssyncset.done $0x0  }
0x1e: {  	s26 =	sadd.s32 $0x0, s8;
	[sflag:s16] =	ssyncadd.s32 $0xFFFFF000  }
0x1f: {  	[hbm4b:s26+s2] =	stream.linear.scatter [tilespmem:s12], [sflag:$0x6], $0x1000, $0x38;
	[tilespmem:$0x7200] =	vst v63  }
0x20: {  	_ =	swait.ge [sflag:s17], $0x1000  }
0x21: {  	[sflag:s17] =	ssyncset.done $0x0  }
0x22: {  	s29 =	sadd.s32 $0x0, s7;
	[sflag:s17] =	ssyncadd.s32 $0xFFFFF000  }
0x23: {  	[hbm4b:s29+s2] =	stream.linear.scatter [tilespmem:s13], [sflag:$0x7], $0x1000, $0x38;
	[tilespmem:$0x7200] =	vst v63  }
0x24: {  	_ =	swait.ge [sflag:s18], $0x1000  }
0x25: {  	[sflag:s18] =	ssyncset.done $0x0  }
0x26: {  	s30 =	sadd.s32 $0x0, s6;
	[sflag:s18] =	ssyncadd.s32 $0xFFFFF000  }
0x27: {  	[hbm4b:s30+s2] =	stream.linear.scatter [tilespmem:s14], [sflag:$0x8], $0x1000, $0x38;
	[tilespmem:$0x7200] =	vst v63  }
0x28: {  	_ =	swait.ge [sflag:s19], $0x1000  }
0x29: {  	[sflag:s19] =	ssyncset.done $0x0  }
0x2a: {  	s31 =	sadd.s32 $0x0, s9;
	[sflag:s19] =	ssyncadd.s32 $0xFFFFF000  }
0x2b: {  	[hbm4b:s31+s2] =	stream.linear.scatter [tilespmem:s15], [sflag:$0x9], $0x1000, $0x38;
	[tilespmem:$0x7200] =	vst v63  }
0x2c: {  	_ =	swait.ge [sflag:s20], $0x1000  }
0x2d: {  	[sflag:s20] =	ssyncset.done $0x0  }
0x2e: {  	[sflag:s20] =	ssyncadd.s32 $0xFFFFF000  }
0x2f: {  	_ =	swait.ge [sflag:s21], $0x1000  }
0x30: {  	[sflag:s21] =	ssyncset.done $0x0  }
0x31: {  	[sflag:s21] =	ssyncadd.s32 $0xFFFFF000  }
0x32: {  	_ =	swait.ge [sflag:s22], $0x1000  }
0x33: {  	[sflag:s22] =	ssyncset.done $0x0  }
0x34: {  	[sflag:s22] =	ssyncadd.s32 $0xFFFFF000  }
0x35: {  	_ =	swait.ge [sflag:s23], $0x1000  }
0x36: {  	s28 =	simm.s32 $0x1000;
	s25 =	simm.s32 $0x800;
	[sflag:s23] =	ssyncset.done $0x0  }
.LBB2_2:
0x37: {  	s29 =	sshra.s32 s25, $0x2  }
0x38: {  	[sflag:s23] =	ssyncadd.s32 $0xFFFFF000;
	s30 =	smov.u32 s28;
	s26 =	sadd.s32 $0x800, s28  }
0x39: {  	[tilespmem:s12], [sflag:$0x2] =	stream.indirect.gather [hbm4b:s3+s11], $0x20, s29, s11, $0xb8;
	[tilespmem:$0x7200] =	vst v63  }
0x3a: {  	p0 =	sne.s32 s28, $0xC000;
	s28 =	sadd.s32 $0x80, s29  }
0x3b: {  	[tilespmem:s13], [sflag:$0x3] =	stream.indirect.gather [hbm4b:s3+s11], $0x20, s28, s11, $0xb8;
	[tilespmem:$0x7200] =	vst v63  }
0x3c: {  	s28 =	sadd.s32 $0x100, s29  }
0x3d: {  	[tilespmem:s14], [sflag:$0x4] =	stream.indirect.gather [hbm4b:s3+s11], $0x20, s28, s11, $0xb8;
	[tilespmem:$0x7200] =	vst v63  }
0x3e: {  	s28 =	sadd.s32 $0x180, s29  }
0x3f: {  	[tilespmem:s15], [sflag:$0x5] =	stream.indirect.gather [hbm4b:s3+s11], $0x20, s28, s11, $0xb8;
	[tilespmem:$0x7200] =	vst v63  }
0x40: {  	_ =	swait.ge [sflag:s16], $0x1000  }
0x41: {  	[sflag:s16] =	ssyncset.done $0x0  }
0x42: {  	s28 =	sadd.s32 s25, s8;
	[sflag:s16] =	ssyncadd.s32 $0xFFFFF000  }
0x43: {  	[hbm4b:s28+s2] =	stream.linear.scatter [tilespmem:s12], [sflag:$0x6], $0x1000, $0x38;
	[tilespmem:$0x7200] =	vst v63  }
0x44: {  	_ =	swait.ge [sflag:s17], $0x1000  }
0x45: {  	[sflag:s17] =	ssyncset.done $0x0  }
0x46: {  	s28 =	sadd.s32 s25, s7;
	[sflag:s17] =	ssyncadd.s32 $0xFFFFF000  }
0x47: {  	[hbm4b:s28+s2] =	stream.linear.scatter [tilespmem:s13], [sflag:$0x7], $0x1000, $0x38;
	[tilespmem:$0x7200] =	vst v63  }
0x48: {  	_ =	swait.ge [sflag:s18], $0x1000  }
0x49: {  	[sflag:s18] =	ssyncset.done $0x0  }
0x4a: {  	s28 =	sadd.s32 s25, s6;
	[sflag:s18] =	ssyncadd.s32 $0xFFFFF000  }
0x4b: {  	[hbm4b:s28+s2] =	stream.linear.scatter [tilespmem:s14], [sflag:$0x8], $0x1000, $0x38;
	[tilespmem:$0x7200] =	vst v63  }
0x4c: {  	_ =	swait.ge [sflag:s19], $0x1000  }
0x4d: {  	[sflag:s19] =	ssyncset.done $0x0  }
0x4e: {  	s28 =	sadd.s32 s25, s9;
	s25 =	smov.u32 s30;
	[sflag:s19] =	ssyncadd.s32 $0xFFFFF000  }
0x4f: {  	[hbm4b:s28+s2] =	stream.linear.scatter [tilespmem:s15], [sflag:$0x9], $0x1000, $0x38;
	[tilespmem:$0x7200] =	vst v63  }
0x50: {  	_ =	swait.ge [sflag:s20], $0x1000  }
0x51: {  	[sflag:s20] =	ssyncset.done $0x0  }
0x52: {  	[sflag:s20] =	ssyncadd.s32 $0xFFFFF000  }
0x53: {  	_ =	swait.ge [sflag:s21], $0x1000  }
0x54: {  	[sflag:s21] =	ssyncset.done $0x0  }
0x55: {  	[sflag:s21] =	ssyncadd.s32 $0xFFFFF000  }
.Ltmp0:
0x56: {  	_ =	swait.ge [sflag:s22], $0x1000;
	(pc) =	sbr.rel @p0 .LBB2_2-.Ltmp0, $4  }
0x57: {  	[sflag:s22] =	ssyncset.done $0x0  }
0x58: {  	[sflag:s22] =	ssyncadd.s32 $0xFFFFF000  }
0x59: {  	_ =	swait.ge [sflag:s23], $0x1000  }
0x5a: {  	s28 =	smov.u32 s26;
	[sflag:s23] =	ssyncset.done $0x0  }
0x5b: {  	s26 =	sshra.s32 s25, $0x2;
	[sflag:s23] =	ssyncadd.s32 $0xFFFFF000  }
0x5c: {  	[tilespmem:s12], [sflag:$0x2] =	stream.indirect.gather [hbm4b:s3+s11], $0x20, s26, s11, $0xb8;
	[tilespmem:$0x7200] =	vst v63  }
0x5d: {  	s28 =	sadd.s32 $0x80, s26  }
0x5e: {  	[tilespmem:s13], [sflag:$0x3] =	stream.indirect.gather [hbm4b:s3+s11], $0x20, s28, s11, $0xb8;
	[tilespmem:$0x7200] =	vst v63  }
0x5f: {  	s31 =	sadd.s32 $0x100, s26  }
0x60: {  	[tilespmem:s14], [sflag:$0x4] =	stream.indirect.gather [hbm4b:s3+s11], $0x20, s31, s11, $0xb8;
	[tilespmem:$0x7200] =	vst v63  }
0x61: {  	s26 =	sadd.s32 $0x180, s26  }
0x62: {  	[tilespmem:s15], [sflag:$0x5] =	stream.indirect.gather [hbm4b:s3+s11], $0x20, s26, s11, $0xb8;
	[tilespmem:$0x7200] =	vst v63  }
0x63: {  	_ =	swait.ge [sflag:s16], $0x1000  }
0x64: {  	[sflag:s16] =	ssyncset.done $0x0  }
0x65: {  	s28 =	sadd.s32 s25, s8;
	[sflag:s16] =	ssyncadd.s32 $0xFFFFF000  }
0x66: {  	[hbm4b:s28+s2] =	stream.linear.scatter [tilespmem:s12], [sflag:$0x6], $0x1000, $0x38;
	[tilespmem:$0x7200] =	vst v63  }
0x67: {  	_ =	swait.ge [sflag:s17], $0x1000  }
0x68: {  	[sflag:s17] =	ssyncset.done $0x0  }
0x69: {  	s29 =	sadd.s32 s25, s7;
	[sflag:s17] =	ssyncadd.s32 $0xFFFFF000  }
0x6a: {  	[hbm4b:s29+s2] =	stream.linear.scatter [tilespmem:s13], [sflag:$0x7], $0x1000, $0x38;
	[tilespmem:$0x7200] =	vst v63  }
0x6b: {  	_ =	swait.ge [sflag:s18], $0x1000  }
0x6c: {  	[sflag:s18] =	ssyncset.done $0x0  }
0x6d: {  	s30 =	sadd.s32 s25, s6;
	[sflag:s18] =	ssyncadd.s32 $0xFFFFF000  }
0x6e: {  	[hbm4b:s30+s2] =	stream.linear.scatter [tilespmem:s14], [sflag:$0x8], $0x1000, $0x38;
	[tilespmem:$0x7200] =	vst v63  }
0x6f: {  	_ =	swait.ge [sflag:s19], $0x1000  }
0x70: {  	[sflag:s19] =	ssyncset.done $0x0  }
0x71: {  	s31 =	sadd.s32 s25, s9;
	[sflag:s19] =	ssyncadd.s32 $0xFFFFF000  }
0x72: {  	[hbm4b:s31+s2] =	stream.linear.scatter [tilespmem:s15], [sflag:$0x9], $0x1000, $0x38;
	[tilespmem:$0x7200] =	vst v63  }
0x73: {  	_ =	swait.ge [sflag:s20], $0x1000  }
0x74: {  	[sflag:s20] =	ssyncset.done $0x0  }
0x75: {  	[sflag:s20] =	ssyncadd.s32 $0xFFFFF000  }
0x76: {  	_ =	swait.ge [sflag:s21], $0x1000  }
0x77: {  	[sflag:s21] =	ssyncset.done $0x0  }
0x78: {  	s24 =	sadd.s32 $0x1, s24;
	[sflag:s21] =	ssyncadd.s32 $0xFFFFF000  }
0x79: {  	p0 =	sne.s32 s24, s5;
	_ =	swait.ge [sflag:s22], $0x1000  }
.Ltmp1:
0x7a: {  	[sflag:s22] =	ssyncset.done $0x0;
	(pc) =	sbr.rel @p0 .LBB2_1-.Ltmp1, $4  }
0x7b: {  	[sflag:s22] =	ssyncadd.s32 $0xFFFFF000  }
0x7c: {  	_ =	swait.ge [sflag:s23], $0x1000  }
0x7d: {  	[sflag:s23] =	ssyncset.done $0x0  }
0x7e: {  	[sflag:s23] =	ssyncadd.s32 $0xFFFFF000  }
0x7f: {  	_ =	sfence.sel $0x180000  }
0x80: {  	[bflag:$0x0] =	sbarrier.arrive $0xFFFF  }
0x81: {  	p0 =	sne.s32 s0, $0x0;
	_ =	strace $0x90000047  }
0x82: {  	s0 =	sadd.s32 @!p0 $0x100000, s1;
	[bflag:$0x2] =	sbarrier.arrive $0xFFFF  }
0x83: {  	[sflag:s0] =	ssyncadd.tile.s32 @!p0 $0x1;
	_ =	shalt  }
.Lfunc_end2:
_tile_overlayer_lowered:
.L_overlay_start_2:
0x84: {  	(tag) =	ssettag $0x2  }
0x85: {  	s0 =	rddreg [dreg:$0x0];
	s2 =	stileid.u32  }
0x86: {  	s1 =	rddreg [dreg:$0x1];
	p0 =	sne.s32 s2, $0x0  }
0x87: {  	s3 =	rddreg [dreg:$0x2];
	[bflag:$0x3] =	sbarrier.arrive $0xFFFF;
	s2 =	simm.s32 @!p0 $0x1C0A  }
0x88: {  	[timem:s3], [sflag:s2] =	dma.local @!p0 [hbm:s0], s1  }
0x89: {  	s0 =	simm.s32 @!p0 $0xA  }
0x8a: {  	_ =	swait.ge @!p0 [sflag:s0], s1  }
0x8b: {  	s1 =	ssub.s32 @!p0 $0x0, s1;
	[sflag:s0] =	ssyncset.done @!p0 $0x0  }
0x8c: {  	[sflag:s0] =	ssyncadd.s32 @!p0 s1  }
0x8d: {  	[bflag:$0x3] =	sbarrier.arrive $0xFFFF  }
0x8e: {  	_ =	shalt  }

// kernel: kernel.7.cloned.1.call-start
scs
__scs_entry_jumppad:
0x0: {  	(pc) =	sbr.rel $0x88, $3  }
0x1: {  	(tag) =	ssettag $0x0;
	lr =	simm.s32 $0x1  }
0x2: {  	[smem:$0x3F9D] =	sst lr;
	_ =	strace $0xD0000000  }
0x3: {  	_ = 	snop  }
0x4: {  	_ = 	snop  }
0x5: {  	_ = 	snop  }
0x6: {  	_ = 	snop  }
0x7: {  	_ = 	snop  }
__scs_overlays_trampoline_lowered:
0x8: {  	[smem:$0x3FAC] =	sst s0  }
0x9: {  	[smem:$0x3FAD] =	sst s1  }
0xa: {  	[smem:$0x3FAE] =	sst s2  }
0xb: {  	[smem:$0x3FAF] =	sst s3  }
0xc: {  	[smem:$0x3FB0] =	sst s4  }
0xd: {  	[smem:$0x3FB1] =	sst s5  }
0xe: {  	[smem:$0x3FB2] =	sst s6  }
0xf: {  	[smem:$0x3FB3] =	sst s7  }
0x10: {  	[smem:$0x3FB4] =	sst s8  }
0x11: {  	[smem:$0x3FB5] =	sst s9;
	s0 =	simm.s32 @!p0 $0x0  }
0x12: {  	s1 =	sld [smem:$0x3F9B];
	s0 =	simm.s32 @p0 $0x1  }
0x13: {  	[smem:$0x3FB6] =	sst s0;
	s0 =	simm.s32 @!p1 $0x0  }
0x14: {  	s2 =	sld [smem:$0x3F9A];
	s0 =	simm.s32 @p1 $0x1  }
0x15: {  	[smem:$0x3FB7] =	sst s0;
	s0 =	simm.s32 @!p2 $0x0  }
0x16: {  	s3 =	sld [smem:$0x3FDB];
	s0 =	simm.s32 @p2 $0x1  }
0x17: {  	s4 =	simm.s32 $0x1BF5;
	[smem:$0x3FB9] =	sst s0  }
0x18: {  	s0 =	sld [smem:$0x3F9C];
	_ =	swait.ge [sflag:s4], $0x0  }
0x19: {  	s7 =	sld [smem:$0x3F9D]  }
0x1a: {  	s8 =	sadd.s32 $0xFFFFE003, lr  }
0x1b: {  	s9 =	sadd.s32 $0xFFFFFEF7, lr;
	s5 =	simm.s32 $0xFFFFFFFF;
	p2 =	slt.u32 s8, $0xFFFFF086  }
0x1c: {  	p1 =	slt.u32 s9, $0xF7A;
	s5 =	simm.s32 @!p2 $0x0  }
0x1d: {  	s5 =	simm.s32 @p1 $0x1;
	p0 =	seq.s32 s7, s2  }
0x1e: {  	s7 =	smul.u32 @!p0 $0xF7A, s2;
	p2 =	seq.s32 @!p0 s5, $0x0  }
0x1f: {  	s9 =	smul.u32 $0xF7A, s1;
	s8 =	simm.s32 @!p0 $0x1BF5;
	p2 =	por !p2, p0  }
0x20: {  	[sflag:s8] =	ssyncset.s32 @!p0 $0xFFFFF086;
	s6 =	sadd.s32 @!p0 s3, s7;
	s7 =	simm.s32 @!p0 $0x108  }
0x21: {  	s3 =	sadd.s32 s3, s9;
	s6 =	sadd.s32 @!p0 $0x88, s6;
	s7 =	simm.s32 @p2 $0x1082  }
0x22: {  	[simem:s7], [sflag:s8] =	dma.local @!p0 [hbm:s6], $0xF7A  }
0x23: {  	s9 =	sor.u32 $0xD0000000, s2;
	s6 =	simm.s32 $0x108;
	_ =	swait.ge @!p0 [sflag:s8], $0x0  }
0x24: {  	s3 =	sadd.s32 $0x88, s3;
	s6 =	simm.s32 @!p1 $0x1082;
	[sflag:s4] =	ssyncset.s32 $0xFFFFF086  }
0x25: {  	[simem:s6], [sflag:s4] =	dma.local [hbm:s3], $0xF7A  }
0x26: {  	[smem:$0x3F9D] =	sst s1;
	(tag) =	ssettag s2;
	_ =	strace s9  }
0x27: {  	s1 =	sld [smem:$0x3FAD]  }
0x28: {  	s2 =	sld [smem:$0x3FAE]  }
0x29: {  	s4 =	sld [smem:$0x3FB0]  }
0x2a: {  	p0 =	seq.s32 s5, $0x0;
	s5 =	sld [smem:$0x3FB1]  }
0x2b: {  	s6 =	sld [smem:$0x3FB2]  }
0x2c: {  	s7 =	sld [smem:$0x3FB3]  }
0x2d: {  	s3 =	simm.s32 $0x108;
	s8 =	sld [smem:$0x3FB4]  }
0x2e: {  	s3 =	simm.s32 @!p0 $0x1082;
	s9 =	sld [smem:$0x3FB5]  }
0x2f: {  	lr =	sadd.s32 s0, s3;
	s0 =	sld [smem:$0x3FAC]  }
0x30: {  	s3 =	sld [smem:$0x3FAF]  }
0x31: {  	[smem:$0x3FB8] =	sst s10  }
0x32: {  	s10 =	sld [smem:$0x3FB6];
	_ =	sdelay $0x3  }
0x33: {  	p0 =	seq.s32 s10, $0x1;
	s10 =	sld [smem:$0x3FB8];
	_ =	sdelay $0x3  }
0x34: {  	[smem:$0x3FB8] =	sst s10  }
0x35: {  	s10 =	sld [smem:$0x3FB7];
	_ =	sdelay $0x3  }
0x36: {  	p1 =	seq.s32 s10, $0x1;
	s10 =	sld [smem:$0x3FB8];
	_ =	sdelay $0x3  }
0x37: {  	[smem:$0x3FB8] =	sst s10  }
0x38: {  	s10 =	sld [smem:$0x3FB9]  }
0x39: {  	_ = 	snop;
	(pc) =	sbr.ind lr, $3  }
0x3a: {  	_ = 	snop  }
0x3b: {  	_ = 	snop  }
0x3c: {  	p2 =	seq.s32 s10, $0x1;
	s10 =	sld [smem:$0x3FB8]  }
0x3d: {  	_ =	shalt  }
0x3e: {  	_ =	shalt  }
0x3f: {  	_ =	shalt  }
0x40: {  	_ =	shalt  }
0x41: {  	_ =	shalt  }
0x42: {  	_ =	shalt  }
0x43: {  	_ =	shalt  }
0x44: {  	_ =	shalt  }
0x45: {  	_ =	shalt  }
0x46: {  	_ =	shalt  }
0x47: {  	_ =	shalt  }
0x48: {  	_ =	shalt  }
0x49: {  	_ =	shalt  }
0x4a: {  	_ =	shalt  }
0x4b: {  	_ =	shalt  }
0x4c: {  	_ =	shalt  }
0x4d: {  	_ =	shalt  }
0x4e: {  	_ =	shalt  }
0x4f: {  	_ =	shalt  }
0x50: {  	_ =	shalt  }
0x51: {  	_ =	shalt  }
0x52: {  	_ =	shalt  }
0x53: {  	_ =	shalt  }
0x54: {  	_ =	shalt  }
0x55: {  	_ =	shalt  }
0x56: {  	_ =	shalt  }
0x57: {  	_ =	shalt  }
0x58: {  	_ =	shalt  }
0x59: {  	_ =	shalt  }
0x5a: {  	_ =	shalt  }
0x5b: {  	_ =	shalt  }
0x5c: {  	_ =	shalt  }
0x5d: {  	_ =	shalt  }
0x5e: {  	_ =	shalt  }
0x5f: {  	_ =	shalt  }
0x60: {  	_ =	shalt  }
0x61: {  	_ =	shalt  }
0x62: {  	_ =	shalt  }
0x63: {  	_ =	shalt  }
0x64: {  	_ =	shalt  }
0x65: {  	_ =	shalt  }
0x66: {  	_ =	shalt  }
0x67: {  	_ =	shalt  }
0x68: {  	_ =	shalt  }
0x69: {  	_ =	shalt  }
0x6a: {  	_ =	shalt  }
0x6b: {  	_ =	shalt  }
0x6c: {  	_ =	shalt  }
0x6d: {  	_ =	shalt  }
0x6e: {  	_ =	shalt  }
0x6f: {  	_ =	shalt  }
0x70: {  	_ =	shalt  }
0x71: {  	_ =	shalt  }
0x72: {  	_ =	shalt  }
0x73: {  	_ =	shalt  }
0x74: {  	_ =	shalt  }
0x75: {  	_ =	shalt  }
0x76: {  	_ =	shalt  }
0x77: {  	_ =	shalt  }
0x78: {  	_ =	shalt  }
0x79: {  	_ =	shalt  }
0x7a: {  	_ =	shalt  }
0x7b: {  	_ =	shalt  }
0x7c: {  	_ =	shalt  }
0x7d: {  	_ =	shalt  }
0x7e: {  	_ =	shalt  }
0x7f: {  	_ =	shalt  }
0x80: {  	_ =	shalt  }
0x81: {  	_ =	shalt  }
0x82: {  	_ =	shalt  }
0x83: {  	_ =	shalt  }
0x84: {  	_ =	shalt  }
0x85: {  	_ =	shalt  }
0x86: {  	_ =	shalt  }
0x87: {  	_ =	shalt  }
.Lfunc_end0:
.L_simem_size_0:
called_computation_lowered:
.L_overlay_start_0:
0x88: {  	s2 =	sld [smem:$0x3FD9]  }
0x89: {  	s3 =	sld [smem:$0x3FFE];
	_ =	sdelay $0x1  }
0x8a: {  	s1 =	srdreg.scid  }
0x8b: {  	s0 =	sand.u32 $0x1, s1  }
0x8c: {  	s17 =	sshll.u32 s0, $0xA;
	s2 =	sadd.s32 s3, s2  }
0x8d: {  	s2 =	sadd.s32 s2, s17  }
0x8e: {  	[smem:$0x3FC4] =	sst s2  }
0x8f: {  	_ = 	snop  }
0x90: {  	(tm) =	ssettm $0x1  }
0x91: {  	s18 =	sld [smem:$0x3FFB];
	_ =	sdelay $0x3  }
0x92: {  	_ =	strace s18  }
0x93: {  	s2 =	sld [smem:$0x3FFC];
	_ =	sdelay $0x3  }
0x94: {  	_ =	strace s2  }
0x95: {  	s2 =	sld [smem:$0x3FFD];
	_ =	sdelay $0x3  }
0x96: {  	_ =	strace s2  }
0x97: {  	_ =	strace $0x8FFFFFFF  }
0x98: {  	s19 =	sld [smem:$0x3FDB];
	_ =	sdelay $0x1  }
0x99: {  	s20 =	simm.s32 $_scs_section_size  }
0x9a: {  	s4 =	simm.s32 $_size__tile_overlayer_lowered;
	s5 =	simm.s32 $_tile_overlayer_lowered  }
0x9b: {  	s6 =	simm.s32 $0x1BFF;
	s21 =	sshll.u32 s5, $0x1;
	s3 =	sadd.s32 s20, s19  }
0x9c: {  	s22 =	simm.s32 $0x0;
	s4 =	sshll.u32 s4, $0x1;
	s5 =	sadd.s32 s21, s3  }
0x9d: {  	[timem:s22], [sflag:s6] =	dma.local [hbm:s5], s4  }
0x9e: {  	_ =	swait.ge [sflag:s6], s4  }
0x9f: {  	s4 =	ssub.s32 $0x0, s4;
	[sflag:s6] =	ssyncset.done $0x0  }
0xa0: {  	[sflag:s6] =	ssyncadd.s32 s4;
	_ =	sdelay $0x1  }
0xa1: {  	s23 =	simm.s32 $0x1B8B  }
0xa2: {  	_ =	swait.ge [sflag:s23], $0x1  }
0xa3: {  	[sflag:s23] =	ssyncset.done $0x0  }
0xa4: {  	[sflag:s23] =	ssyncadd.s32 $0xFFFFFFFF  }
0xa5: {  	s4 =	sld [smem:$0x0]  }
0xa6: {  	s5 =	sand.u32 $0xFFFFFFFE, s1  }
0xa7: {  	p0 =	sne.s32 s1, s5  }
0xa8: {  	s5 =	sshll.u32 @p0 s5, $0xE  }
0xa9: {  	s5 =	sadd.s32 @p0 $0x11B8D, s5;
	s6 =	sshll.u32 @p0 s4, $0x11  }
0xaa: {  	s5 =	sor.u32 @p0 s6, s5  }
0xab: {  	[sflag:s5] =	ssyncadd.remote.s32 @p0 $0x1;
	_ =	sdelay $0x1  }
0xac: {  	s5 =	simm.s32 @p0 $0x1B8D  }
0xad: {  	_ =	swait.eq @p0 [sflag:s5], $0x1  }
0xae: {  	[sflag:s5] =	ssyncadd.s32 @p0 $0xFFFFFFFF  }
0xaf: {  	s6 =	sshll.u32 @!p0 s1, $0xE  }
0xb0: {  	s6 =	sor.u32 @!p0 $0x4000, s6;
	s5 =	simm.s32 @!p0 $0x1B8D  }
0xb1: {  	s4 =	sshll.u32 @!p0 s4, $0x11;
	s6 =	sadd.s32 @!p0 $0x11B8D, s6;
	_ =	swait.eq @!p0 [sflag:s5], $0x1  }
0xb2: {  	s4 =	sor.u32 @!p0 s4, s6;
	[sflag:s5] =	ssyncadd.s32 @!p0 $0xFFFFFFFF  }
0xb3: {  	s25 =	simm.s32 $0x1B8E;
	s24 =	sld [smem:$0x3FFE];
	[sflag:s4] =	ssyncadd.remote.s32 @!p0 $0x1  }
0xb4: {  	s26 =	simm.s32 $execute0_lowered;
	[smem:$0x3FD2] =	sst s25  }
0xb5: {  	s5 =	sshll.u32 s26, $0x1;
	_ =	strace $0x80000049;
	[dreg:$0x1] =	wrdreg $0xFFFFFFFF  }
0xb6: {  	s28 =	simm.s32 $_size_execute0_lowered;
	s3 =	sadd.s32 s3, s5;
	[dreg:$0x0] =	wrdreg $0x0  }
0xb7: {  	s5 =	sshll.u32 s28, $0x1;
	[dreg:$0x2] =	wrdreg s3  }
0xb8: {  	[dreg:$0x3] =	wrdreg s5  }
0xb9: {  	[dreg:$0x4] =	wrdreg $0xC0  }
0xba: {  	_ =	task [dreg:s22], $0x5FFFF  }
0xbb: {  	[dreg:$0x1] =	wrdreg $0xFFFFFFFF  }
0xbc: {  	[dreg:$0x0] =	wrdreg $0x60  }
0xbd: {  	[dreg:$0x2] =	wrdreg s24  }
0xbe: {  	[dreg:$0x3] =	wrdreg $0x9  }
0xbf: {  	_ =	task.clear_ibuf [dreg:s22], $0x4FFFF;
	_ =	strace $0x90000049  }
0xc0: {  	s29 =	simm.s32 $0x9;
	_ =	strace $0x8000004B  }
0xc1: {  	_ =	swait.ge [sflag:s29], $0x1  }
0xc2: {  	[sflag:s29] =	ssyncadd.s32 $0xFFFFFFFF  }
0xc3: {  	_ =	strace $0x9000004B  }
0xc4: {  	_ =	sfence  }
0xc5: {  	s30 =	sld [smem:$0x0];
	_ =	sdelay $0x2  }
0xc6: {  	s31 =	sshll.u32 s1, $0xD;
	s1 =	sshrl.u32 s1, $0x2  }
0xc7: {  	s4 =	sand.u32 $0x4000, s31;
	s1 =	sadd.s32 s1, s30  }
0xc8: {  	s0 =	sor.u32 s4, s0;
	s1 =	sshll.u32 s1, $0x11  }
0xc9: {  	s0 =	sor.u32 s1, s0  }
0xca: {  	s0 =	sadd.s32 $0x8F2B, s0  }
0xcb: {  	[sflag:s0] =	ssyncadd.remote.s32 $0x1  }
0xcc: {  	_ =	sfence.sel $0xFFFF  }
0xcd: {  	[dreg:$0x0] =	wrdreg $0xFFFFFFFF;
	(pc) =	sbr.abs _section_cstart, $3  }
0xce: {  	[dreg:$0x1] =	wrdreg $0xFFFFFFFF  }
0xcf: {  	_ =	task.clear_ibuf [dreg:s22], $0x2FFFF;
	_ =	strace $0x9FFFFFFF  }
0xd0: {  	(tm) =	ssettm $0x7FFFFFFF  }
0xd1: {  	_ =	shalt  }
tec
execute0_lowered:
.L_overlay_start_1:
0x0: {  	(tag) =	ssettag $0x1  }
0x1: {  	s1 =	srdreg.scid;
	s0 =	stileid.u32  }
0x2: {  	s4 =	rddreg [dreg:$0x0];
	s2 =	simm.s32 $0x0;
	s12 =	simm.s32 $0x3200  }
0x3: {  	s13 =	simm.s32 $0x4200;
	s14 =	simm.s32 $0x5200;
	s15 =	simm.s32 $0x6200  }
0x4: {  	s16 =	simm.s32 $0x2;
	s17 =	simm.s32 $0x3;
	s18 =	simm.s32 $0x4  }
0x5: {  	s19 =	simm.s32 $0x5;
	s20 =	simm.s32 $0x6;
	s21 =	simm.s32 $0x7  }
0x6: {  	s22 =	simm.s32 $0x8;
	s23 =	simm.s32 $0x9;
	s24 =	simm.s32 $0x0  }
0x7: {  	s5 =	sand.u32 $0x1, s1;
	s1 =	rddreg [dreg:$0x1];
	s6 =	smul.u32 $0x6400, s0  }
0x8: {  	s26 =	sshll.u32 s0, $0x1;
	[smem:$0x7FF] =	sst s2;
	s30 =	smul.u32 $0x19000, s0  }
0x9: {  	s10 =	sadd.s32 $0x591A00, s4;
	s3 =	sor.u32 s5, s26;
	s7 =	smul.u32 $0x3200, s5  }
0xa: {  	_ =	strace $0x8000004A;
	s9 =	ssub.s32 $0x2, s5;
	s3 =	smul.u32 $0x3200, s3  }
0xb: {  	s31 =	smul.u32 $0xC800, s5;
	s28 =	sshrl.u32 s9, $0x1;
	s6 =	sadd.s32 s7, s6  }
0xc: {  	s29 =	ssub.s32 s9, s28;
	s9 =	sadd.s32 s30, s10;
	s3 =	sshrl.u32 s3, $0x3  }
0xd: {  	s6 =	sshll.u32 s6, $0x2;
	s5 =	smax.u32 s29, $0x1;
	s8 =	sadd.s32 s3, s4  }
0xe: {  	s3 =	sadd.s32 $0x29A00, s4;
	s11 =	sadd.s32 s6, s10;
	s10 =	simm.s32 $0x1  }
0xf: {  	s4 =	sadd.s32 $0x1200, s8;
	s6 =	sadd.s32 $0x400, s11;
	s7 =	sadd.s32 $0x200, s11  }
0x10: {  	s8 =	sadd.s32 s31, s9;
	s9 =	sadd.s32 $0x600, s11;
	s11 =	simm.s32 $0x80  }
.LBB2_1:
0x11: {  	[tilespmem:s2], [sflag:$0x1] =	stream.linear.gather [hbm4b:s4+s2], $0x3200, $0x38;
	[tilespmem:$0x7200] =	vst v63  }
0x12: {  	_ =	swait.ge [sflag:s10], $0x3200  }
0x13: {  	[sflag:s10] =	ssyncset.done $0x0  }
0x14: {  	s25 =	simm.s32 $0x0;
	[sflag:s10] =	ssyncadd.s32 $0xFFFFCE00  }
0x15: {  	[tilespmem:s12], [sflag:$0x2] =	stream.indirect.gather [hbm4b:s3+s11], $0x20, s25, s11, $0xb8;
	[tilespmem:$0x7200] =	vst v63  }
0x16: {  	s29 =	simm.s32 $0x80  }
0x17: {  	[tilespmem:s13], [sflag:$0x3] =	stream.indirect.gather [hbm4b:s3+s11], $0x20, s29, s11, $0xb8;
	[tilespmem:$0x7200] =	vst v63  }
0x18: {  	s30 =	simm.s32 $0x100  }
0x19: {  	[tilespmem:s14], [sflag:$0x4] =	stream.indirect.gather [hbm4b:s3+s11], $0x20, s30, s11, $0xb8;
	[tilespmem:$0x7200] =	vst v63  }
0x1a: {  	s31 =	simm.s32 $0x180  }
0x1b: {  	[tilespmem:s15], [sflag:$0x5] =	stream.indirect.gather [hbm4b:s3+s11], $0x20, s31, s11, $0xb8;
	[tilespmem:$0x7200] =	vst v63  }
0x1c: {  	_ =	swait.ge [sflag:s16], $0x1000  }
0x1d: {  	[sflag:s16] =	ssyncset.done $0x0  }
0x1e: {  	s26 =	sadd.s32 $0x0, s8;
	[sflag:s16] =	ssyncadd.s32 $0xFFFFF000  }
0x1f: {  	[hbm4b:s26+s2] =	stream.linear.scatter [tilespmem:s12], [sflag:$0x6], $0x1000, $0x38;
	[tilespmem:$0x7200] =	vst v63  }
0x20: {  	_ =	swait.ge [sflag:s17], $0x1000  }
0x21: {  	[sflag:s17] =	ssyncset.done $0x0  }
0x22: {  	s29 =	sadd.s32 $0x0, s7;
	[sflag:s17] =	ssyncadd.s32 $0xFFFFF000  }
0x23: {  	[hbm4b:s29+s2] =	stream.linear.scatter [tilespmem:s13], [sflag:$0x7], $0x1000, $0x38;
	[tilespmem:$0x7200] =	vst v63  }
0x24: {  	_ =	swait.ge [sflag:s18], $0x1000  }
0x25: {  	[sflag:s18] =	ssyncset.done $0x0  }
0x26: {  	s30 =	sadd.s32 $0x0, s6;
	[sflag:s18] =	ssyncadd.s32 $0xFFFFF000  }
0x27: {  	[hbm4b:s30+s2] =	stream.linear.scatter [tilespmem:s14], [sflag:$0x8], $0x1000, $0x38;
	[tilespmem:$0x7200] =	vst v63  }
0x28: {  	_ =	swait.ge [sflag:s19], $0x1000  }
0x29: {  	[sflag:s19] =	ssyncset.done $0x0  }
0x2a: {  	s31 =	sadd.s32 $0x0, s9;
	[sflag:s19] =	ssyncadd.s32 $0xFFFFF000  }
0x2b: {  	[hbm4b:s31+s2] =	stream.linear.scatter [tilespmem:s15], [sflag:$0x9], $0x1000, $0x38;
	[tilespmem:$0x7200] =	vst v63  }
0x2c: {  	_ =	swait.ge [sflag:s20], $0x1000  }
0x2d: {  	[sflag:s20] =	ssyncset.done $0x0  }
0x2e: {  	[sflag:s20] =	ssyncadd.s32 $0xFFFFF000  }
0x2f: {  	_ =	swait.ge [sflag:s21], $0x1000  }
0x30: {  	[sflag:s21] =	ssyncset.done $0x0  }
0x31: {  	[sflag:s21] =	ssyncadd.s32 $0xFFFFF000  }
0x32: {  	_ =	swait.ge [sflag:s22], $0x1000  }
0x33: {  	[sflag:s22] =	ssyncset.done $0x0  }
0x34: {  	[sflag:s22] =	ssyncadd.s32 $0xFFFFF000  }
0x35: {  	_ =	swait.ge [sflag:s23], $0x1000  }
0x36: {  	s28 =	simm.s32 $0x1000;
	s25 =	simm.s32 $0x800;
	[sflag:s23] =	ssyncset.done $0x0  }
.LBB2_2:
0x37: {  	s29 =	sshra.s32 s25, $0x2  }
0x38: {  	[sflag:s23] =	ssyncadd.s32 $0xFFFFF000;
	s30 =	smov.u32 s28;
	s26 =	sadd.s32 $0x800, s28  }
0x39: {  	[tilespmem:s12], [sflag:$0x2] =	stream.indirect.gather [hbm4b:s3+s11], $0x20, s29, s11, $0xb8;
	[tilespmem:$0x7200] =	vst v63  }
0x3a: {  	p0 =	sne.s32 s28, $0xC000;
	s28 =	sadd.s32 $0x80, s29  }
0x3b: {  	[tilespmem:s13], [sflag:$0x3] =	stream.indirect.gather [hbm4b:s3+s11], $0x20, s28, s11, $0xb8;
	[tilespmem:$0x7200] =	vst v63  }
0x3c: {  	s28 =	sadd.s32 $0x100, s29  }
0x3d: {  	[tilespmem:s14], [sflag:$0x4] =	stream.indirect.gather [hbm4b:s3+s11], $0x20, s28, s11, $0xb8;
	[tilespmem:$0x7200] =	vst v63  }
0x3e: {  	s28 =	sadd.s32 $0x180, s29  }
0x3f: {  	[tilespmem:s15], [sflag:$0x5] =	stream.indirect.gather [hbm4b:s3+s11], $0x20, s28, s11, $0xb8;
	[tilespmem:$0x7200] =	vst v63  }
0x40: {  	_ =	swait.ge [sflag:s16], $0x1000  }
0x41: {  	[sflag:s16] =	ssyncset.done $0x0  }
0x42: {  	s28 =	sadd.s32 s25, s8;
	[sflag:s16] =	ssyncadd.s32 $0xFFFFF000  }
0x43: {  	[hbm4b:s28+s2] =	stream.linear.scatter [tilespmem:s12], [sflag:$0x6], $0x1000, $0x38;
	[tilespmem:$0x7200] =	vst v63  }
0x44: {  	_ =	swait.ge [sflag:s17], $0x1000  }
0x45: {  	[sflag:s17] =	ssyncset.done $0x0  }
0x46: {  	s28 =	sadd.s32 s25, s7;
	[sflag:s17] =	ssyncadd.s32 $0xFFFFF000  }
0x47: {  	[hbm4b:s28+s2] =	stream.linear.scatter [tilespmem:s13], [sflag:$0x7], $0x1000, $0x38;
	[tilespmem:$0x7200] =	vst v63  }
0x48: {  	_ =	swait.ge [sflag:s18], $0x1000  }
0x49: {  	[sflag:s18] =	ssyncset.done $0x0  }
0x4a: {  	s28 =	sadd.s32 s25, s6;
	[sflag:s18] =	ssyncadd.s32 $0xFFFFF000  }
0x4b: {  	[hbm4b:s28+s2] =	stream.linear.scatter [tilespmem:s14], [sflag:$0x8], $0x1000, $0x38;
	[tilespmem:$0x7200] =	vst v63  }
0x4c: {  	_ =	swait.ge [sflag:s19], $0x1000  }
0x4d: {  	[sflag:s19] =	ssyncset.done $0x0  }
0x4e: {  	s28 =	sadd.s32 s25, s9;
	s25 =	smov.u32 s30;
	[sflag:s19] =	ssyncadd.s32 $0xFFFFF000  }
0x4f: {  	[hbm4b:s28+s2] =	stream.linear.scatter [tilespmem:s15], [sflag:$0x9], $0x1000, $0x38;
	[tilespmem:$0x7200] =	vst v63  }
0x50: {  	_ =	swait.ge [sflag:s20], $0x1000  }
0x51: {  	[sflag:s20] =	ssyncset.done $0x0  }
0x52: {  	[sflag:s20] =	ssyncadd.s32 $0xFFFFF000  }
0x53: {  	_ =	swait.ge [sflag:s21], $0x1000  }
0x54: {  	[sflag:s21] =	ssyncset.done $0x0  }
0x55: {  	[sflag:s21] =	ssyncadd.s32 $0xFFFFF000  }
.Ltmp0:
0x56: {  	_ =	swait.ge [sflag:s22], $0x1000;
	(pc) =	sbr.rel @p0 .LBB2_2-.Ltmp0, $4  }
0x57: {  	[sflag:s22] =	ssyncset.done $0x0  }
0x58: {  	[sflag:s22] =	ssyncadd.s32 $0xFFFFF000  }
0x59: {  	_ =	swait.ge [sflag:s23], $0x1000  }
0x5a: {  	s28 =	smov.u32 s26;
	[sflag:s23] =	ssyncset.done $0x0  }
0x5b: {  	s26 =	sshra.s32 s25, $0x2;
	[sflag:s23] =	ssyncadd.s32 $0xFFFFF000  }
0x5c: {  	[tilespmem:s12], [sflag:$0x2] =	stream.indirect.gather [hbm4b:s3+s11], $0x20, s26, s11, $0xb8;
	[tilespmem:$0x7200] =	vst v63  }
0x5d: {  	s28 =	sadd.s32 $0x80, s26  }
0x5e: {  	[tilespmem:s13], [sflag:$0x3] =	stream.indirect.gather [hbm4b:s3+s11], $0x20, s28, s11, $0xb8;
	[tilespmem:$0x7200] =	vst v63  }
0x5f: {  	s31 =	sadd.s32 $0x100, s26  }
0x60: {  	[tilespmem:s14], [sflag:$0x4] =	stream.indirect.gather [hbm4b:s3+s11], $0x20, s31, s11, $0xb8;
	[tilespmem:$0x7200] =	vst v63  }
0x61: {  	s26 =	sadd.s32 $0x180, s26  }
0x62: {  	[tilespmem:s15], [sflag:$0x5] =	stream.indirect.gather [hbm4b:s3+s11], $0x20, s26, s11, $0xb8;
	[tilespmem:$0x7200] =	vst v63  }
0x63: {  	_ =	swait.ge [sflag:s16], $0x1000  }
0x64: {  	[sflag:s16] =	ssyncset.done $0x0  }
0x65: {  	s28 =	sadd.s32 s25, s8;
	[sflag:s16] =	ssyncadd.s32 $0xFFFFF000  }
0x66: {  	[hbm4b:s28+s2] =	stream.linear.scatter [tilespmem:s12], [sflag:$0x6], $0x1000, $0x38;
	[tilespmem:$0x7200] =	vst v63  }
0x67: {  	_ =	swait.ge [sflag:s17], $0x1000  }
0x68: {  	[sflag:s17] =	ssyncset.done $0x0  }
0x69: {  	s29 =	sadd.s32 s25, s7;
	[sflag:s17] =	ssyncadd.s32 $0xFFFFF000  }
0x6a: {  	[hbm4b:s29+s2] =	stream.linear.scatter [tilespmem:s13], [sflag:$0x7], $0x1000, $0x38;
	[tilespmem:$0x7200] =	vst v63  }
0x6b: {  	_ =	swait.ge [sflag:s18], $0x1000  }
0x6c: {  	[sflag:s18] =	ssyncset.done $0x0  }
0x6d: {  	s30 =	sadd.s32 s25, s6;
	[sflag:s18] =	ssyncadd.s32 $0xFFFFF000  }
0x6e: {  	[hbm4b:s30+s2] =	stream.linear.scatter [tilespmem:s14], [sflag:$0x8], $0x1000, $0x38;
	[tilespmem:$0x7200] =	vst v63  }
0x6f: {  	_ =	swait.ge [sflag:s19], $0x1000  }
0x70: {  	[sflag:s19] =	ssyncset.done $0x0  }
0x71: {  	s31 =	sadd.s32 s25, s9;
	[sflag:s19] =	ssyncadd.s32 $0xFFFFF000  }
0x72: {  	[hbm4b:s31+s2] =	stream.linear.scatter [tilespmem:s15], [sflag:$0x9], $0x1000, $0x38;
	[tilespmem:$0x7200] =	vst v63  }
0x73: {  	_ =	swait.ge [sflag:s20], $0x1000  }
0x74: {  	[sflag:s20] =	ssyncset.done $0x0  }
0x75: {  	[sflag:s20] =	ssyncadd.s32 $0xFFFFF000  }
0x76: {  	_ =	swait.ge [sflag:s21], $0x1000  }
0x77: {  	[sflag:s21] =	ssyncset.done $0x0  }
0x78: {  	s24 =	sadd.s32 $0x1, s24;
	[sflag:s21] =	ssyncadd.s32 $0xFFFFF000  }
0x79: {  	p0 =	sne.s32 s24, s5;
	_ =	swait.ge [sflag:s22], $0x1000  }
.Ltmp1:
0x7a: {  	[sflag:s22] =	ssyncset.done $0x0;
	(pc) =	sbr.rel @p0 .LBB2_1-.Ltmp1, $4  }
0x7b: {  	[sflag:s22] =	ssyncadd.s32 $0xFFFFF000  }
0x7c: {  	_ =	swait.ge [sflag:s23], $0x1000  }
0x7d: {  	[sflag:s23] =	ssyncset.done $0x0  }
0x7e: {  	[sflag:s23] =	ssyncadd.s32 $0xFFFFF000  }
0x7f: {  	_ =	sfence.sel $0x180000  }
0x80: {  	[bflag:$0x0] =	sbarrier.arrive $0xFFFF  }
0x81: {  	p0 =	sne.s32 s0, $0x0;
	_ =	strace $0x9000004A  }
0x82: {  	s0 =	sadd.s32 @!p0 $0x100000, s1;
	[bflag:$0x2] =	sbarrier.arrive $0xFFFF  }
0x83: {  	[sflag:s0] =	ssyncadd.tile.s32 @!p0 $0x1;
	_ =	shalt  }
.Lfunc_end2:
_tile_overlayer_lowered:
.L_overlay_start_2:
0x84: {  	(tag) =	ssettag $0x2  }
0x85: {  	s0 =	rddreg [dreg:$0x0];
	s2 =	stileid.u32  }
0x86: {  	s1 =	rddreg [dreg:$0x1];
	p0 =	sne.s32 s2, $0x0  }
0x87: {  	s3 =	rddreg [dreg:$0x2];
	[bflag:$0x3] =	sbarrier.arrive $0xFFFF;
	s2 =	simm.s32 @!p0 $0x1C0A  }
0x88: {  	[timem:s3], [sflag:s2] =	dma.local @!p0 [hbm:s0], s1  }
0x89: {  	s0 =	simm.s32 @!p0 $0xA  }
0x8a: {  	_ =	swait.ge @!p0 [sflag:s0], s1  }
0x8b: {  	s1 =	ssub.s32 @!p0 $0x0, s1;
	[sflag:s0] =	ssyncset.done @!p0 $0x0  }
0x8c: {  	[sflag:s0] =	ssyncadd.s32 @!p0 s1  }
0x8d: {  	[bflag:$0x3] =	sbarrier.arrive $0xFFFF  }
0x8e: {  	_ =	shalt  }

</sc_bundles>
